<compile_context>
chip_gen: v7x
topology: tpu7x:2x2x1
jax: 0.10.2.dev20260603
libtpu: 0.0.44.dev20260713+nightly
codegen_flags: <defaults>
</compile_context>

<pallas_src>
import functools

import jax
import jax.numpy as jnp
from jax import lax
from jax.experimental import pallas as pl
from jax.experimental.pallas import tpu as pltpu
from jax.experimental.pallas import tpu_sc as plsc

N_NODES = 10000
N_EDGES = 320000
D_IN = 128
D_HID = 128
D_OUT = 64
D_HALF = 64

NC = 2
NS = 16
NW = NC * NS

N_PAD = 10000
SLAB = N_PAD // NS
DEGW = 8
E_W = N_EDGES // NW
EB = 1000
N_CH = E_W // EB
CH_TOTAL = N_EDGES // EB

ROW_BLK = 400
TC_GRID = N_NODES // ROW_BLK


def _pass1_body(xa_hbm, xb_hbm, e_hbm, zf_hbm, z8_hbm, ones8_hbm,
                sa_hbm, sb_hbm, deg_hbm,
                idx_v, rows_v, ones_v,
                acc_sh, deg_sh, sem_g, sem_d):
  c = lax.axis_index("c")
  s = lax.axis_index("s")
  wid = c * NS + s
  base = wid * N_CH
  slab = s * SLAB
  pltpu.sync_copy(zf_hbm.at[pl.ds(slab, SLAB), :], acc_sh.at[pl.ds(slab, SLAB), :])
  @pl.when(s == 0)
  def _():
    pltpu.sync_copy(z8_hbm, deg_sh)
  pltpu.sync_copy(ones8_hbm, ones_v)
  plsc.subcore_barrier()

  def chunk_a(i, carry):
    pltpu.sync_copy(e_hbm.at[pl.ds((base + i) * 2, 2), :], idx_v)
    pltpu.async_copy(xa_hbm.at[idx_v.at[0]], rows_v, sem_g)
    pltpu.async_copy(ones_v, deg_sh.at[idx_v.at[1]], sem_d, add=True)
    pltpu.make_async_copy(xa_hbm.at[idx_v.at[0]], rows_v, sem_g).wait()
    pltpu.sync_copy(rows_v, acc_sh.at[idx_v.at[1]], add=True)
    pltpu.make_async_copy(ones_v, deg_sh.at[idx_v.at[1]], sem_d).wait()
    return carry

  lax.fori_loop(0, N_CH, chunk_a, 0)
  plsc.subcore_barrier()
  pltpu.sync_copy(acc_sh.at[pl.ds(slab, SLAB), :],
                  sa_hbm.at[c, pl.ds(slab, SLAB), :])
  pltpu.sync_copy(zf_hbm.at[pl.ds(slab, SLAB), :], acc_sh.at[pl.ds(slab, SLAB), :])
  plsc.subcore_barrier()

  def chunk_b(i, carry):
    pltpu.sync_copy(e_hbm.at[pl.ds((base + i) * 2, 2), :], idx_v)
    pltpu.async_copy(xb_hbm.at[idx_v.at[0]], rows_v, sem_g)
    pltpu.make_async_copy(xb_hbm.at[idx_v.at[0]], rows_v, sem_g).wait()
    pltpu.sync_copy(rows_v, acc_sh.at[idx_v.at[1]], add=True)
    return carry

  lax.fori_loop(0, N_CH, chunk_b, 0)
  plsc.subcore_barrier()
  pltpu.sync_copy(acc_sh.at[pl.ds(slab, SLAB), :],
                  sb_hbm.at[c, pl.ds(slab, SLAB), :])
  @pl.when(s == 0)
  def _():
    pltpu.sync_copy(deg_sh, deg_hbm.at[c])


def _pass2_body(h_hbm, e_hbm, zf_hbm, sums_hbm,
                idx_v, rows_v, acc_sh, sem):
  c = lax.axis_index("c")
  s = lax.axis_index("s")
  wid = c * NS + s
  base = wid * N_CH
  slab = s * SLAB
  pltpu.sync_copy(zf_hbm.at[pl.ds(slab, SLAB), :], acc_sh.at[pl.ds(slab, SLAB), :])
  plsc.subcore_barrier()

  def chunk(i, carry):
    pltpu.sync_copy(e_hbm.at[pl.ds((base + i) * 2, 2), :], idx_v)
    pltpu.async_copy(h_hbm.at[idx_v.at[0]], rows_v, sem)
    pltpu.make_async_copy(h_hbm.at[idx_v.at[0]], rows_v, sem).wait()
    pltpu.sync_copy(rows_v, acc_sh.at[idx_v.at[1]], add=True)
    return carry

  lax.fori_loop(0, N_CH, chunk, 0)
  plsc.subcore_barrier()
  pltpu.sync_copy(acc_sh.at[pl.ds(slab, SLAB), :],
                  sums_hbm.at[c, pl.ds(slab, SLAB), :])


_SC_PARAMS = pltpu.CompilerParams(use_tc_tiling_on_sc=False)


def _make_pass1():
  mesh = plsc.VectorSubcoreMesh(core_axis_name="c", subcore_axis_name="s",
                                num_cores=NC, num_subcores=NS)
  out_type = (jax.ShapeDtypeStruct((NC, N_PAD, D_HALF), jnp.float32),
              jax.ShapeDtypeStruct((NC, N_PAD, D_HALF), jnp.float32),
              jax.ShapeDtypeStruct((NC, N_PAD, DEGW), jnp.float32))
  scratch = [
      pltpu.VMEM((2, EB), jnp.int32),
      pltpu.VMEM((EB, D_HALF), jnp.float32),
      pltpu.VMEM((EB, DEGW), jnp.float32),
      pltpu.VMEM_SHARED((N_PAD, D_HALF), jnp.float32),
      pltpu.VMEM_SHARED((N_PAD, DEGW), jnp.float32),
      pltpu.SemaphoreType.DMA,
      pltpu.SemaphoreType.DMA,
  ]
  return pl.kernel(_pass1_body, out_type=out_type, mesh=mesh,
                   scratch_types=scratch, compiler_params=_SC_PARAMS)


def _make_pass2():
  mesh = plsc.VectorSubcoreMesh(core_axis_name="c", subcore_axis_name="s",
                                num_cores=NC, num_subcores=NS)
  out_type = jax.ShapeDtypeStruct((NC, N_PAD, D_HALF), jnp.float32)
  scratch = [
      pltpu.VMEM((2, EB), jnp.int32),
      pltpu.VMEM((EB, D_HALF), jnp.float32),
      pltpu.VMEM_SHARED((N_PAD, D_HALF), jnp.float32),
      pltpu.SemaphoreType.DMA,
  ]
  return pl.kernel(_pass2_body, out_type=out_type, mesh=mesh,
                   scratch_types=scratch, compiler_params=_SC_PARAMS)


@functools.lru_cache(maxsize=None)
def _edge_pass(which):
  return _make_pass1() if which == 1 else _make_pass2()


def _dense0_body(x_ref, sa_ref, sb_ref, deg_ref, ws0_ref, wn0_ref, b0_ref,
                 wn1_ref, h1_ref, p1_ref):
  deg = jnp.maximum(deg_ref[0, :, 0:1] + deg_ref[1, :, 0:1], 1.0)
  agg_a = (sa_ref[0] + sa_ref[1]) / deg
  agg_b = (sb_ref[0] + sb_ref[1]) / deg
  h1 = jnp.dot(x_ref[...], ws0_ref[...], preferred_element_type=jnp.float32)
  h1 = h1 + jnp.dot(agg_a, wn0_ref[0:D_HALF, :],
                    preferred_element_type=jnp.float32)
  h1 = h1 + jnp.dot(agg_b, wn0_ref[D_HALF:D_IN, :],
                    preferred_element_type=jnp.float32)
  h1 = jnp.maximum(h1 + b0_ref[...], 0.0)
  h1_ref[...] = h1
  p1_ref[...] = jnp.dot(h1, wn1_ref[...], preferred_element_type=jnp.float32)


def _dense1_body(h1_ref, s1_ref, deg_ref, ws1_ref, b1_ref, out_ref):
  deg = jnp.maximum(deg_ref[0, :, 0:1] + deg_ref[1, :, 0:1], 1.0)
  agg = (s1_ref[0] + s1_ref[1]) / deg
  out_ref[...] = (
      jnp.dot(h1_ref[...], ws1_ref[...], preferred_element_type=jnp.float32)
      + agg + b1_ref[...])


_dense0_specs_in = [
    pl.BlockSpec((ROW_BLK, D_IN), lambda i: (i, 0)),
    pl.BlockSpec((NC, ROW_BLK, D_HALF), lambda i: (0, i, 0)),
    pl.BlockSpec((NC, ROW_BLK, D_HALF), lambda i: (0, i, 0)),
    pl.BlockSpec((NC, ROW_BLK, DEGW), lambda i: (0, i, 0)),
    pl.BlockSpec((D_IN, D_HID), lambda i: (0, 0)),
    pl.BlockSpec((D_IN, D_HID), lambda i: (0, 0)),
    pl.BlockSpec((1, D_HID), lambda i: (0, 0)),
    pl.BlockSpec((D_HID, D_OUT), lambda i: (0, 0)),
]
_dense0_specs_out = [
    pl.BlockSpec((ROW_BLK, D_HID), lambda i: (i, 0)),
    pl.BlockSpec((ROW_BLK, D_OUT), lambda i: (i, 0)),
]
_dense0_out_shape = [
    jax.ShapeDtypeStruct((N_NODES, D_HID), jnp.float32),
    jax.ShapeDtypeStruct((N_NODES, D_OUT), jnp.float32),
]

_dense0 = pl.pallas_call(
    _dense0_body,
    grid=(TC_GRID,),
    in_specs=_dense0_specs_in,
    out_specs=_dense0_specs_out,
    out_shape=_dense0_out_shape,
)

_dense1_specs_in = [
    pl.BlockSpec((ROW_BLK, D_HID), lambda i: (i, 0)),
    pl.BlockSpec((NC, ROW_BLK, D_OUT), lambda i: (0, i, 0)),
    pl.BlockSpec((NC, ROW_BLK, DEGW), lambda i: (0, i, 0)),
    pl.BlockSpec((D_HID, D_OUT), lambda i: (0, 0)),
    pl.BlockSpec((1, D_OUT), lambda i: (0, 0)),
]
_dense1_specs_out = pl.BlockSpec((ROW_BLK, D_OUT), lambda i: (i, 0))
_dense1_out_shape = jax.ShapeDtypeStruct((N_NODES, D_OUT), jnp.float32)

_dense1 = pl.pallas_call(
    _dense1_body,
    grid=(TC_GRID,),
    in_specs=_dense1_specs_in,
    out_specs=_dense1_specs_out,
    out_shape=_dense1_out_shape,
)


@jax.jit
def kernel(x, edge_index, W_self0, W_neigh0, b0, W_self1, W_neigh1, b1):
  ec = edge_index.astype(jnp.int32).reshape(2, CH_TOTAL, EB)
  ec = jnp.swapaxes(ec, 0, 1).reshape(CH_TOTAL * 2, EB)
  xa = x[:, :D_HALF]
  xb = x[:, D_HALF:]
  zf = jnp.zeros((N_PAD, D_HALF), jnp.float32)
  z8 = jnp.zeros((N_PAD, DEGW), jnp.float32)
  ones8 = jnp.ones((EB, DEGW), jnp.float32)

  sums0a, sums0b, degp = _edge_pass(1)(xa, xb, ec, zf, z8, ones8)
  h1, p1 = _dense0(x, sums0a, sums0b, degp, W_self0, W_neigh0,
                   b0.reshape(1, D_HID), W_neigh1)
  sums1 = _edge_pass(2)(p1, ec, zf)
  out = _dense1(h1, sums1, degp, W_self1, b1.reshape(1, D_OUT))
  return out

# --- scband reference (transcript-rebuilt; emitter-appended) ---
"""Pipeline reference for scband-sage-30837865185720 (READ-ONLY COPY).

The authoritative reference and input builder live on the scoring server;
editing this copy changes nothing except your own understanding.
"""

import jax, jax.numpy as jnp
import numpy as np

N_NODES = 10000
N_EDGES = 320000
D_IN = 128
D_HID = 128
D_OUT = 64


def setup_inputs(seed: int = 0) -> dict:
    key = jax.random.key(seed)
    ks = jax.random.split(key, 8)
    x = jax.random.normal(ks[0], (N_NODES, D_IN), dtype=jnp.float32)
    edge_index = jax.random.randint(ks[1], (2, N_EDGES), 0, N_NODES, dtype=jnp.int64)
    s0 = 1.0 / np.sqrt(D_IN)
    s1 = 1.0 / np.sqrt(D_HID)
    W_self0 = jax.random.uniform(ks[2], (D_IN, D_HID), jnp.float32, -s0, s0)
    W_neigh0 = jax.random.uniform(ks[3], (D_IN, D_HID), jnp.float32, -s0, s0)
    b0 = jnp.zeros((D_HID,), jnp.float32)
    W_self1 = jax.random.uniform(ks[4], (D_HID, D_OUT), jnp.float32, -s1, s1)
    W_neigh1 = jax.random.uniform(ks[5], (D_HID, D_OUT), jnp.float32, -s1, s1)
    b1 = jnp.zeros((D_OUT,), jnp.float32)
    return {"x": x, "edge_index": edge_index, "W_self0": W_self0, "W_neigh0": W_neigh0, "b0": b0, "W_self1": W_self1, "W_neigh1": W_neigh1, "b1": b1}


def _sage_layer(h, src, dst, W_self, W_neigh, b, n_nodes):
    # mean aggregation over incoming neighbors (DGL SAGEConv 'mean')
    msg = jnp.take(h, src, axis=0)
    summed = jax.ops.segment_sum(msg, dst, num_segments=n_nodes)
    deg = jax.ops.segment_sum(jnp.ones((src.shape[0],), h.dtype), dst, num_segments=n_nodes)
    agg = summed / jnp.maximum(deg, 1.0)[:, None]
    return h @ W_self + agg @ W_neigh + b


def reference(x, edge_index, W_self0, W_neigh0, b0, W_self1, W_neigh1, b1):
    n_nodes = x.shape[0]
    src = edge_index[0]
    dst = edge_index[1]
    h = _sage_layer(x, src, dst, W_self0, W_neigh0, b0, n_nodes)
    h = jax.nn.relu(h)  # dropout is identity in eval mode
    h = _sage_layer(h, src, dst, W_self1, W_neigh1, b1, n_nodes)
    return h

if __name__ == "__main__":
    import jax
    _d = setup_inputs()
    print(jax.jit(kernel)(*tuple(_d.values())))

</pallas_src>

<mosaic_0001>
#map = affine_map<(d0, d1) -> (0, 0)>
#map1 = affine_map<(d0, d1) -> (0, 0, 0)>
module attributes {stable_mosaic.version = 14 : i64} {
  func.func @_pass1_body(%arg0: i32, %arg1: i32, %arg2: memref<10000x64xf32, #tpu.memory_space<hbm>>, %arg3: memref<10000x64xf32, #tpu.memory_space<hbm>>, %arg4: memref<640x1000xi32, #tpu.memory_space<hbm>>, %arg5: memref<10000x64xf32, #tpu.memory_space<hbm>>, %arg6: memref<10000x8xf32, #tpu.memory_space<hbm>>, %arg7: memref<1000x8xf32, #tpu.memory_space<hbm>>, %arg8: memref<2x10000x64xf32, #tpu.memory_space<hbm>>, %arg9: memref<2x10000x64xf32, #tpu.memory_space<hbm>>, %arg10: memref<2x10000x8xf32, #tpu.memory_space<hbm>>, %arg11: memref<2x1000xi32, #tpu.memory_space<vmem>>, %arg12: memref<1000x64xf32, #tpu.memory_space<vmem>>, %arg13: memref<1000x8xf32, #tpu.memory_space<vmem>>, %arg14: memref<10000x64xf32, #tpu.memory_space<vmem_shared>>, %arg15: memref<10000x8xf32, #tpu.memory_space<vmem_shared>>, %arg16: memref<!tpu.dma_semaphore, #tpu.memory_space<semaphore_mem>>, %arg17: memref<!tpu.dma_semaphore, #tpu.memory_space<semaphore_mem>>) attributes {dimension_semantics = [#tpu.dimension_semantics<core_parallel>, #tpu.dimension_semantics<subcore_parallel>], iteration_bounds = array<i64: 2, 16>, scalar_prefetch = 0 : i64, scratch_operands = 7 : i64, tpu.core_type = #tpu.core_type<sc_vector_subcore>, window_params = [{transform_indices = #map}, {transform_indices = #map}, {transform_indices = #map}, {transform_indices = #map}, {transform_indices = #map}, {transform_indices = #map}, {transform_indices = #map1}, {transform_indices = #map1}, {transform_indices = #map1}]} {
    %mul3A = arith.constant 16 : i32
    %mul3A_0 = arith.muli %arg0, %mul3A : i32
    %add3A = arith.addi %mul3A_0, %arg1 : i32
    %mul3A_1 = arith.constant 10 : i32
    %mul3A_2 = arith.muli %add3A, %mul3A_1 : i32
    %mul3A_3 = arith.constant 625 : i32
    %mul3A_4 = arith.muli %arg1, %mul3A_3 : i32
    "tpu.region"() ({
      %run_scoped3A = tpu.sem_alloc : memref<!tpu.dma_semaphore, #tpu.memory_space<semaphore_mem>>
      %dma_start3A = arith.constant 0 : i32
      %dma_start3A_26 = tpu.memref_slice %arg14[%mul3A_4, %dma_start3A] : memref<10000x64xf32, #tpu.memory_space<vmem_shared>> -> memref<625x64xf32, #tpu.memory_space<vmem_shared>>
      %dma_start3A_27 = arith.constant 0 : i32
      %dma_start3A_28 = tpu.memref_slice %arg5[%mul3A_4, %dma_start3A_27] : memref<10000x64xf32, #tpu.memory_space<hbm>> -> memref<625x64xf32, #tpu.memory_space<hbm>>
      tpu.enqueue_dma source(%dma_start3A_28 : memref<625x64xf32, #tpu.memory_space<hbm>>) target(%dma_start3A_26 : memref<625x64xf32, #tpu.memory_space<vmem_shared>>) target_semaphore(%run_scoped3A : memref<!tpu.dma_semaphore, #tpu.memory_space<semaphore_mem>>)
      %dma_wait3A = arith.constant 0 : i32
      %dma_wait3A_29 = tpu.memref_slice %arg14[%mul3A_4, %dma_wait3A] : memref<10000x64xf32, #tpu.memory_space<vmem_shared>> -> memref<625x64xf32, #tpu.memory_space<vmem_shared>>
      %dma_wait3A_30 = arith.constant 0 : i32
      %dma_wait3A_31 = tpu.memref_slice %arg5[%mul3A_4, %dma_wait3A_30] : memref<10000x64xf32, #tpu.memory_space<hbm>> -> memref<625x64xf32, #tpu.memory_space<hbm>>
      tpu.wait_dma2 semaphore(%run_scoped3A : memref<!tpu.dma_semaphore, #tpu.memory_space<semaphore_mem>>) src(%dma_wait3A_31 : memref<625x64xf32, #tpu.memory_space<hbm>>) dst(%dma_wait3A_29 : memref<625x64xf32, #tpu.memory_space<vmem_shared>>)
      tpu.yield
    }) : () -> ()
    %eq3A = arith.constant 0 : i32
    %eq3A_5 = arith.cmpi eq, %arg1, %eq3A : i32
    %convert_element_type3A = arith.extui %eq3A_5 : i1 to i32
    %cond3A = arith.constant 0 : i32
    %cond3A_6 = arith.cmpi ne, %convert_element_type3A, %cond3A : i32
    scf.if %cond3A_6 {
      "tpu.region"() ({
        %run_scoped3A = tpu.sem_alloc : memref<!tpu.dma_semaphore, #tpu.memory_space<semaphore_mem>>
        tpu.enqueue_dma source(%arg6 : memref<10000x8xf32, #tpu.memory_space<hbm>>) target(%arg15 : memref<10000x8xf32, #tpu.memory_space<vmem_shared>>) target_semaphore(%run_scoped3A : memref<!tpu.dma_semaphore, #tpu.memory_space<semaphore_mem>>)
        tpu.wait_dma2 semaphore(%run_scoped3A : memref<!tpu.dma_semaphore, #tpu.memory_space<semaphore_mem>>) src(%arg6 : memref<10000x8xf32, #tpu.memory_space<hbm>>) dst(%arg15 : memref<10000x8xf32, #tpu.memory_space<vmem_shared>>)
        tpu.yield
      }) : () -> ()
    } else {
    }
    "tpu.region"() ({
      %run_scoped3A = tpu.sem_alloc : memref<!tpu.dma_semaphore, #tpu.memory_space<semaphore_mem>>
      tpu.enqueue_dma source(%arg7 : memref<1000x8xf32, #tpu.memory_space<hbm>>) target(%arg13 : memref<1000x8xf32, #tpu.memory_space<vmem>>) target_semaphore(%run_scoped3A : memref<!tpu.dma_semaphore, #tpu.memory_space<semaphore_mem>>)
      tpu.wait_dma2 semaphore(%run_scoped3A : memref<!tpu.dma_semaphore, #tpu.memory_space<semaphore_mem>>) src(%arg7 : memref<1000x8xf32, #tpu.memory_space<hbm>>) dst(%arg13 : memref<1000x8xf32, #tpu.memory_space<vmem>>)
      tpu.yield
    }) : () -> ()
    %barrier3A = arith.constant 0 : index
    tpu.barrier barrier_id(%barrier3A)
    %scan3A = arith.constant 0 : i32
    %scan3A_7 = arith.constant 0 : i32
    %scan3A_8 = arith.constant 10 : i32
    %scan3A_9 = arith.addi %scan3A_7, %scan3A_8 : i32
    %scan3A_10 = arith.constant 1 : i32
    scf.for %scan3A_26 = %scan3A_7 to %scan3A_9 step %scan3A_10  : i32 {
      %add3A_27 = arith.addi %mul3A_2, %scan3A_26 : i32
      %mul3A_28 = arith.constant 2 : i32
      %mul3A_29 = arith.muli %add3A_27, %mul3A_28 : i32
      "tpu.region"() ({
        %run_scoped3A_56 = tpu.sem_alloc : memref<!tpu.dma_semaphore, #tpu.memory_space<semaphore_mem>>
        %dma_start3A_57 = arith.constant 0 : i32
        %dma_start3A_58 = tpu.memref_slice %arg4[%mul3A_29, %dma_start3A_57] : memref<640x1000xi32, #tpu.memory_space<hbm>> -> memref<2x1000xi32, #tpu.memory_space<hbm>>
        %dma_start3A_59 = arith.constant 0 : i32
        %dma_start3A_60 = tpu.memref_slice %arg4[%mul3A_29, %dma_start3A_59] : memref<640x1000xi32, #tpu.memory_space<hbm>> -> memref<2x1000xi32, #tpu.memory_space<hbm>>
        tpu.enqueue_dma source(%dma_start3A_60 : memref<2x1000xi32, #tpu.memory_space<hbm>>) target(%arg11 : memref<2x1000xi32, #tpu.memory_space<vmem>>) target_semaphore(%run_scoped3A_56 : memref<!tpu.dma_semaphore, #tpu.memory_space<semaphore_mem>>)
        %dma_wait3A_61 = arith.constant 0 : i32
        %dma_wait3A_62 = tpu.memref_slice %arg4[%mul3A_29, %dma_wait3A_61] : memref<640x1000xi32, #tpu.memory_space<hbm>> -> memref<2x1000xi32, #tpu.memory_space<hbm>>
        %dma_wait3A_63 = arith.constant 0 : i32
        %dma_wait3A_64 = tpu.memref_slice %arg4[%mul3A_29, %dma_wait3A_63] : memref<640x1000xi32, #tpu.memory_space<hbm>> -> memref<2x1000xi32, #tpu.memory_space<hbm>>
        tpu.wait_dma2 semaphore(%run_scoped3A_56 : memref<!tpu.dma_semaphore, #tpu.memory_space<semaphore_mem>>) src(%dma_wait3A_64 : memref<2x1000xi32, #tpu.memory_space<hbm>>) dst(%arg11 : memref<2x1000xi32, #tpu.memory_space<vmem>>)
        tpu.yield
      }) : () -> ()
      %dma_start3A = arith.constant 0 : i32
      %dma_start3A_30 = arith.constant 0 : i32
      %dma_start3A_31 = tpu.memref_slice %arg11[%dma_start3A, %dma_start3A_30] : memref<2x1000xi32, #tpu.memory_space<vmem>> -> memref<1x1000xi32, #tpu.memory_space<vmem>>
      %dma_start3A_32 = tpu.memref_squeeze %dma_start3A_31 : memref<1x1000xi32, #tpu.memory_space<vmem>> -> memref<1000xi32, #tpu.memory_space<vmem>>
      %dma_start3A_33 = arith.constant 0 : i32
      %dma_start3A_34 = arith.constant 0 : i32
      %dma_start3A_35 = tpu.memref_slice %arg2[%dma_start3A_33, %dma_start3A_34] : memref<10000x64xf32, #tpu.memory_space<hbm>> -> memref<10000x64xf32, #tpu.memory_space<hbm>>
      tpu.enqueue_indirect_dma source(%dma_start3A_35 : memref<10000x64xf32, #tpu.memory_space<hbm>>) target(%arg12 : memref<1000x64xf32, #tpu.memory_space<vmem>>) offsets(%dma_start3A_32 : memref<1000xi32, #tpu.memory_space<vmem>>) semaphore(%arg16 : memref<!tpu.dma_semaphore, #tpu.memory_space<semaphore_mem>>)
      %dma_start3A_36 = arith.constant 1 : i32
      %dma_start3A_37 = arith.constant 0 : i32
      %dma_start3A_38 = tpu.memref_slice %arg11[%dma_start3A_36, %dma_start3A_37] : memref<2x1000xi32, #tpu.memory_space<vmem>> -> memref<1x1000xi32, #tpu.memory_space<vmem>>
      %dma_start3A_39 = tpu.memref_squeeze %dma_start3A_38 : memref<1x1000xi32, #tpu.memory_space<vmem>> -> memref<1000xi32, #tpu.memory_space<vmem>>
      %dma_start3A_40 = arith.constant 0 : i32
      %dma_start3A_41 = arith.constant 0 : i32
      %dma_start3A_42 = tpu.memref_slice %arg15[%dma_start3A_40, %dma_start3A_41] : memref<10000x8xf32, #tpu.memory_space<vmem_shared>> -> memref<10000x8xf32, #tpu.memory_space<vmem_shared>>
      tpu.enqueue_indirect_dma source(%arg13 : memref<1000x8xf32, #tpu.memory_space<vmem>>) target(%dma_start3A_42 : memref<10000x8xf32, #tpu.memory_space<vmem_shared>>) offsets(%dma_start3A_39 : memref<1000xi32, #tpu.memory_space<vmem>>) semaphore(%arg17 : memref<!tpu.dma_semaphore, #tpu.memory_space<semaphore_mem>>) {add = true}
      %dma_wait3A = arith.constant 0 : i32
      %dma_wait3A_43 = arith.constant 0 : i32
      %dma_wait3A_44 = tpu.memref_slice %arg11[%dma_wait3A, %dma_wait3A_43] : memref<2x1000xi32, #tpu.memory_space<vmem>> -> memref<1x1000xi32, #tpu.memory_space<vmem>>
      %dma_wait3A_45 = tpu.memref_squeeze %dma_wait3A_44 : memref<1x1000xi32, #tpu.memory_space<vmem>> -> memref<1000xi32, #tpu.memory_space<vmem>>
      %dma_wait3A_46 = arith.constant 0 : i32
      %dma_wait3A_47 = arith.constant 0 : i32
      %dma_wait3A_48 = tpu.memref_slice %arg2[%dma_wait3A_46, %dma_wait3A_47] : memref<10000x64xf32, #tpu.memory_space<hbm>> -> memref<10000x64xf32, #tpu.memory_space<hbm>>
      tpu.wait_indirect_dma semaphore(%arg16 : memref<!tpu.dma_semaphore, #tpu.memory_space<semaphore_mem>>) src(%dma_wait3A_48 : memref<10000x64xf32, #tpu.memory_space<hbm>>) dst(%arg12 : memref<1000x64xf32, #tpu.memory_space<vmem>>)
      %run_scoped3A = arith.constant 1 : i32
      "tpu.region"() ({
        %run_scoped3A_56 = tpu.sem_alloc : memref<!tpu.dma_semaphore, #tpu.memory_space<semaphore_mem>>
        %dma_start3A_57 = arith.constant 0 : i32
        %dma_start3A_58 = tpu.memref_slice %arg11[%run_scoped3A, %dma_start3A_57] : memref<2x1000xi32, #tpu.memory_space<vmem>> -> memref<1x1000xi32, #tpu.memory_space<vmem>>
        %dma_start3A_59 = tpu.memref_squeeze %dma_start3A_58 : memref<1x1000xi32, #tpu.memory_space<vmem>> -> memref<1000xi32, #tpu.memory_space<vmem>>
        %dma_start3A_60 = arith.constant 0 : i32
        %dma_start3A_61 = arith.constant 0 : i32
        %dma_start3A_62 = tpu.memref_slice %arg14[%dma_start3A_60, %dma_start3A_61] : memref<10000x64xf32, #tpu.memory_space<vmem_shared>> -> memref<10000x64xf32, #tpu.memory_space<vmem_shared>>
        tpu.enqueue_indirect_dma source(%arg12 : memref<1000x64xf32, #tpu.memory_space<vmem>>) target(%dma_start3A_62 : memref<10000x64xf32, #tpu.memory_space<vmem_shared>>) offsets(%dma_start3A_59 : memref<1000xi32, #tpu.memory_space<vmem>>) semaphore(%run_scoped3A_56 : memref<!tpu.dma_semaphore, #tpu.memory_space<semaphore_mem>>) {add = true}
        %dma_wait3A_63 = arith.constant 0 : i32
        %dma_wait3A_64 = tpu.memref_slice %arg11[%run_scoped3A, %dma_wait3A_63] : memref<2x1000xi32, #tpu.memory_space<vmem>> -> memref<1x1000xi32, #tpu.memory_space<vmem>>
        %dma_wait3A_65 = tpu.memref_squeeze %dma_wait3A_64 : memref<1x1000xi32, #tpu.memory_space<vmem>> -> memref<1000xi32, #tpu.memory_space<vmem>>
        %dma_wait3A_66 = arith.constant 0 : i32
        %dma_wait3A_67 = arith.constant 0 : i32
        %dma_wait3A_68 = tpu.memref_slice %arg14[%dma_wait3A_66, %dma_wait3A_67] : memref<10000x64xf32, #tpu.memory_space<vmem_shared>> -> memref<10000x64xf32, #tpu.memory_space<vmem_shared>>
        tpu.wait_indirect_dma semaphore(%run_scoped3A_56 : memref<!tpu.dma_semaphore, #tpu.memory_space<semaphore_mem>>) src(%arg12 : memref<1000x64xf32, #tpu.memory_space<vmem>>) dst(%dma_wait3A_68 : memref<10000x64xf32, #tpu.memory_space<vmem_shared>>)
        tpu.yield
      }) : () -> ()
      %dma_wait3A_49 = arith.constant 1 : i32
      %dma_wait3A_50 = arith.constant 0 : i32
      %dma_wait3A_51 = tpu.memref_slice %arg11[%dma_wait3A_49, %dma_wait3A_50] : memref<2x1000xi32, #tpu.memory_space<vmem>> -> memref<1x1000xi32, #tpu.memory_space<vmem>>
      %dma_wait3A_52 = tpu.memref_squeeze %dma_wait3A_51 : memref<1x1000xi32, #tpu.memory_space<vmem>> -> memref<1000xi32, #tpu.memory_space<vmem>>
      %dma_wait3A_53 = arith.constant 0 : i32
      %dma_wait3A_54 = arith.constant 0 : i32
      %dma_wait3A_55 = tpu.memref_slice %arg15[%dma_wait3A_53, %dma_wait3A_54] : memref<10000x8xf32, #tpu.memory_space<vmem_shared>> -> memref<10000x8xf32, #tpu.memory_space<vmem_shared>>
      tpu.wait_indirect_dma semaphore(%arg17 : memref<!tpu.dma_semaphore, #tpu.memory_space<semaphore_mem>>) src(%arg13 : memref<1000x8xf32, #tpu.memory_space<vmem>>) dst(%dma_wait3A_55 : memref<10000x8xf32, #tpu.memory_space<vmem_shared>>)
    }
    %scan3A_11 = arith.constant 10 : i32
    %barrier3A_12 = arith.constant 0 : index
    tpu.barrier barrier_id(%barrier3A_12)
    "tpu.region"() ({
      %run_scoped3A = tpu.sem_alloc : memref<!tpu.dma_semaphore, #tpu.memory_space<semaphore_mem>>
      %dma_start3A = arith.constant 0 : i32
      %dma_start3A_26 = tpu.memref_slice %arg8[%arg0, %mul3A_4, %dma_start3A] : memref<2x10000x64xf32, #tpu.memory_space<hbm>> -> memref<1x625x64xf32, #tpu.memory_space<hbm>>
      %dma_start3A_27 = tpu.memref_squeeze %dma_start3A_26 : memref<1x625x64xf32, #tpu.memory_space<hbm>> -> memref<625x64xf32, #tpu.memory_space<hbm>>
      %dma_start3A_28 = arith.constant 0 : i32
      %dma_start3A_29 = tpu.memref_slice %arg14[%mul3A_4, %dma_start3A_28] : memref<10000x64xf32, #tpu.memory_space<vmem_shared>> -> memref<625x64xf32, #tpu.memory_space<vmem_shared>>
      tpu.enqueue_dma source(%dma_start3A_29 : memref<625x64xf32, #tpu.memory_space<vmem_shared>>) target(%dma_start3A_27 : memref<625x64xf32, #tpu.memory_space<hbm>>) target_semaphore(%run_scoped3A : memref<!tpu.dma_semaphore, #tpu.memory_space<semaphore_mem>>)
      %dma_wait3A = arith.constant 0 : i32
      %dma_wait3A_30 = tpu.memref_slice %arg8[%arg0, %mul3A_4, %dma_wait3A] : memref<2x10000x64xf32, #tpu.memory_space<hbm>> -> memref<1x625x64xf32, #tpu.memory_space<hbm>>
      %dma_wait3A_31 = tpu.memref_squeeze %dma_wait3A_30 : memref<1x625x64xf32, #tpu.memory_space<hbm>> -> memref<625x64xf32, #tpu.memory_space<hbm>>
      %dma_wait3A_32 = arith.constant 0 : i32
      %dma_wait3A_33 = tpu.memref_slice %arg14[%mul3A_4, %dma_wait3A_32] : memref<10000x64xf32, #tpu.memory_space<vmem_shared>> -> memref<625x64xf32, #tpu.memory_space<vmem_shared>>
      tpu.wait_dma2 semaphore(%run_scoped3A : memref<!tpu.dma_semaphore, #tpu.memory_space<semaphore_mem>>) src(%dma_wait3A_33 : memref<625x64xf32, #tpu.memory_space<vmem_shared>>) dst(%dma_wait3A_31 : memref<625x64xf32, #tpu.memory_space<hbm>>)
      tpu.yield
    }) : () -> ()
    "tpu.region"() ({
      %run_scoped3A = tpu.sem_alloc : memref<!tpu.dma_semaphore, #tpu.memory_space<semaphore_mem>>
      %dma_start3A = arith.constant 0 : i32
      %dma_start3A_26 = tpu.memref_slice %arg14[%mul3A_4, %dma_start3A] : memref<10000x64xf32, #tpu.memory_space<vmem_shared>> -> memref<625x64xf32, #tpu.memory_space<vmem_shared>>
      %dma_start3A_27 = arith.constant 0 : i32
      %dma_start3A_28 = tpu.memref_slice %arg5[%mul3A_4, %dma_start3A_27] : memref<10000x64xf32, #tpu.memory_space<hbm>> -> memref<625x64xf32, #tpu.memory_space<hbm>>
      tpu.enqueue_dma source(%dma_start3A_28 : memref<625x64xf32, #tpu.memory_space<hbm>>) target(%dma_start3A_26 : memref<625x64xf32, #tpu.memory_space<vmem_shared>>) target_semaphore(%run_scoped3A : memref<!tpu.dma_semaphore, #tpu.memory_space<semaphore_mem>>)
      %dma_wait3A = arith.constant 0 : i32
      %dma_wait3A_29 = tpu.memref_slice %arg14[%mul3A_4, %dma_wait3A] : memref<10000x64xf32, #tpu.memory_space<vmem_shared>> -> memref<625x64xf32, #tpu.memory_space<vmem_shared>>
      %dma_wait3A_30 = arith.constant 0 : i32
      %dma_wait3A_31 = tpu.memref_slice %arg5[%mul3A_4, %dma_wait3A_30] : memref<10000x64xf32, #tpu.memory_space<hbm>> -> memref<625x64xf32, #tpu.memory_space<hbm>>
      tpu.wait_dma2 semaphore(%run_scoped3A : memref<!tpu.dma_semaphore, #tpu.memory_space<semaphore_mem>>) src(%dma_wait3A_31 : memref<625x64xf32, #tpu.memory_space<hbm>>) dst(%dma_wait3A_29 : memref<625x64xf32, #tpu.memory_space<vmem_shared>>)
      tpu.yield
    }) : () -> ()
    %barrier3A_13 = arith.constant 0 : index
    tpu.barrier barrier_id(%barrier3A_13)
    %scan3A_14 = arith.constant 0 : i32
    %scan3A_15 = arith.constant 0 : i32
    %scan3A_16 = arith.constant 10 : i32
    %scan3A_17 = arith.addi %scan3A_15, %scan3A_16 : i32
    %scan3A_18 = arith.constant 1 : i32
    scf.for %scan3A_26 = %scan3A_15 to %scan3A_17 step %scan3A_18  : i32 {
      %add3A_27 = arith.addi %mul3A_2, %scan3A_26 : i32
      %mul3A_28 = arith.constant 2 : i32
      %mul3A_29 = arith.muli %add3A_27, %mul3A_28 : i32
      "tpu.region"() ({
        %run_scoped3A_42 = tpu.sem_alloc : memref<!tpu.dma_semaphore, #tpu.memory_space<semaphore_mem>>
        %dma_start3A_43 = arith.constant 0 : i32
        %dma_start3A_44 = tpu.memref_slice %arg4[%mul3A_29, %dma_start3A_43] : memref<640x1000xi32, #tpu.memory_space<hbm>> -> memref<2x1000xi32, #tpu.memory_space<hbm>>
        %dma_start3A_45 = arith.constant 0 : i32
        %dma_start3A_46 = tpu.memref_slice %arg4[%mul3A_29, %dma_start3A_45] : memref<640x1000xi32, #tpu.memory_space<hbm>> -> memref<2x1000xi32, #tpu.memory_space<hbm>>
        tpu.enqueue_dma source(%dma_start3A_46 : memref<2x1000xi32, #tpu.memory_space<hbm>>) target(%arg11 : memref<2x1000xi32, #tpu.memory_space<vmem>>) target_semaphore(%run_scoped3A_42 : memref<!tpu.dma_semaphore, #tpu.memory_space<semaphore_mem>>)
        %dma_wait3A_47 = arith.constant 0 : i32
        %dma_wait3A_48 = tpu.memref_slice %arg4[%mul3A_29, %dma_wait3A_47] : memref<640x1000xi32, #tpu.memory_space<hbm>> -> memref<2x1000xi32, #tpu.memory_space<hbm>>
        %dma_wait3A_49 = arith.constant 0 : i32
        %dma_wait3A_50 = tpu.memref_slice %arg4[%mul3A_29, %dma_wait3A_49] : memref<640x1000xi32, #tpu.memory_space<hbm>> -> memref<2x1000xi32, #tpu.memory_space<hbm>>
        tpu.wait_dma2 semaphore(%run_scoped3A_42 : memref<!tpu.dma_semaphore, #tpu.memory_space<semaphore_mem>>) src(%dma_wait3A_50 : memref<2x1000xi32, #tpu.memory_space<hbm>>) dst(%arg11 : memref<2x1000xi32, #tpu.memory_space<vmem>>)
        tpu.yield
      }) : () -> ()
      %dma_start3A = arith.constant 0 : i32
      %dma_start3A_30 = arith.constant 0 : i32
      %dma_start3A_31 = tpu.memref_slice %arg11[%dma_start3A, %dma_start3A_30] : memref<2x1000xi32, #tpu.memory_space<vmem>> -> memref<1x1000xi32, #tpu.memory_space<vmem>>
      %dma_start3A_32 = tpu.memref_squeeze %dma_start3A_31 : memref<1x1000xi32, #tpu.memory_space<vmem>> -> memref<1000xi32, #tpu.memory_space<vmem>>
      %dma_start3A_33 = arith.constant 0 : i32
      %dma_start3A_34 = arith.constant 0 : i32
      %dma_start3A_35 = tpu.memref_slice %arg3[%dma_start3A_33, %dma_start3A_34] : memref<10000x64xf32, #tpu.memory_space<hbm>> -> memref<10000x64xf32, #tpu.memory_space<hbm>>
      tpu.enqueue_indirect_dma source(%dma_start3A_35 : memref<10000x64xf32, #tpu.memory_space<hbm>>) target(%arg12 : memref<1000x64xf32, #tpu.memory_space<vmem>>) offsets(%dma_start3A_32 : memref<1000xi32, #tpu.memory_space<vmem>>) semaphore(%arg16 : memref<!tpu.dma_semaphore, #tpu.memory_space<semaphore_mem>>)
      %dma_wait3A = arith.constant 0 : i32
      %dma_wait3A_36 = arith.constant 0 : i32
      %dma_wait3A_37 = tpu.memref_slice %arg11[%dma_wait3A, %dma_wait3A_36] : memref<2x1000xi32, #tpu.memory_space<vmem>> -> memref<1x1000xi32, #tpu.memory_space<vmem>>
      %dma_wait3A_38 = tpu.memref_squeeze %dma_wait3A_37 : memref<1x1000xi32, #tpu.memory_space<vmem>> -> memref<1000xi32, #tpu.memory_space<vmem>>
      %dma_wait3A_39 = arith.constant 0 : i32
      %dma_wait3A_40 = arith.constant 0 : i32
      %dma_wait3A_41 = tpu.memref_slice %arg3[%dma_wait3A_39, %dma_wait3A_40] : memref<10000x64xf32, #tpu.memory_space<hbm>> -> memref<10000x64xf32, #tpu.memory_space<hbm>>
      tpu.wait_indirect_dma semaphore(%arg16 : memref<!tpu.dma_semaphore, #tpu.memory_space<semaphore_mem>>) src(%dma_wait3A_41 : memref<10000x64xf32, #tpu.memory_space<hbm>>) dst(%arg12 : memref<1000x64xf32, #tpu.memory_space<vmem>>)
      %run_scoped3A = arith.constant 1 : i32
      "tpu.region"() ({
        %run_scoped3A_42 = tpu.sem_alloc : memref<!tpu.dma_semaphore, #tpu.memory_space<semaphore_mem>>
        %dma_start3A_43 = arith.constant 0 : i32
        %dma_start3A_44 = tpu.memref_slice %arg11[%run_scoped3A, %dma_start3A_43] : memref<2x1000xi32, #tpu.memory_space<vmem>> -> memref<1x1000xi32, #tpu.memory_space<vmem>>
        %dma_start3A_45 = tpu.memref_squeeze %dma_start3A_44 : memref<1x1000xi32, #tpu.memory_space<vmem>> -> memref<1000xi32, #tpu.memory_space<vmem>>
        %dma_start3A_46 = arith.constant 0 : i32
        %dma_start3A_47 = arith.constant 0 : i32
        %dma_start3A_48 = tpu.memref_slice %arg14[%dma_start3A_46, %dma_start3A_47] : memref<10000x64xf32, #tpu.memory_space<vmem_shared>> -> memref<10000x64xf32, #tpu.memory_space<vmem_shared>>
        tpu.enqueue_indirect_dma source(%arg12 : memref<1000x64xf32, #tpu.memory_space<vmem>>) target(%dma_start3A_48 : memref<10000x64xf32, #tpu.memory_space<vmem_shared>>) offsets(%dma_start3A_45 : memref<1000xi32, #tpu.memory_space<vmem>>) semaphore(%run_scoped3A_42 : memref<!tpu.dma_semaphore, #tpu.memory_space<semaphore_mem>>) {add = true}
        %dma_wait3A_49 = arith.constant 0 : i32
        %dma_wait3A_50 = tpu.memref_slice %arg11[%run_scoped3A, %dma_wait3A_49] : memref<2x1000xi32, #tpu.memory_space<vmem>> -> memref<1x1000xi32, #tpu.memory_space<vmem>>
        %dma_wait3A_51 = tpu.memref_squeeze %dma_wait3A_50 : memref<1x1000xi32, #tpu.memory_space<vmem>> -> memref<1000xi32, #tpu.memory_space<vmem>>
        %dma_wait3A_52 = arith.constant 0 : i32
        %dma_wait3A_53 = arith.constant 0 : i32
        %dma_wait3A_54 = tpu.memref_slice %arg14[%dma_wait3A_52, %dma_wait3A_53] : memref<10000x64xf32, #tpu.memory_space<vmem_shared>> -> memref<10000x64xf32, #tpu.memory_space<vmem_shared>>
        tpu.wait_indirect_dma semaphore(%run_scoped3A_42 : memref<!tpu.dma_semaphore, #tpu.memory_space<semaphore_mem>>) src(%arg12 : memref<1000x64xf32, #tpu.memory_space<vmem>>) dst(%dma_wait3A_54 : memref<10000x64xf32, #tpu.memory_space<vmem_shared>>)
        tpu.yield
      }) : () -> ()
    }
    %scan3A_19 = arith.constant 10 : i32
    %barrier3A_20 = arith.constant 0 : index
    tpu.barrier barrier_id(%barrier3A_20)
    "tpu.region"() ({
      %run_scoped3A = tpu.sem_alloc : memref<!tpu.dma_semaphore, #tpu.memory_space<semaphore_mem>>
      %dma_start3A = arith.constant 0 : i32
      %dma_start3A_26 = tpu.memref_slice %arg9[%arg0, %mul3A_4, %dma_start3A] : memref<2x10000x64xf32, #tpu.memory_space<hbm>> -> memref<1x625x64xf32, #tpu.memory_space<hbm>>
      %dma_start3A_27 = tpu.memref_squeeze %dma_start3A_26 : memref<1x625x64xf32, #tpu.memory_space<hbm>> -> memref<625x64xf32, #tpu.memory_space<hbm>>
      %dma_start3A_28 = arith.constant 0 : i32
      %dma_start3A_29 = tpu.memref_slice %arg14[%mul3A_4, %dma_start3A_28] : memref<10000x64xf32, #tpu.memory_space<vmem_shared>> -> memref<625x64xf32, #tpu.memory_space<vmem_shared>>
      tpu.enqueue_dma source(%dma_start3A_29 : memref<625x64xf32, #tpu.memory_space<vmem_shared>>) target(%dma_start3A_27 : memref<625x64xf32, #tpu.memory_space<hbm>>) target_semaphore(%run_scoped3A : memref<!tpu.dma_semaphore, #tpu.memory_space<semaphore_mem>>)
      %dma_wait3A = arith.constant 0 : i32
      %dma_wait3A_30 = tpu.memref_slice %arg9[%arg0, %mul3A_4, %dma_wait3A] : memref<2x10000x64xf32, #tpu.memory_space<hbm>> -> memref<1x625x64xf32, #tpu.memory_space<hbm>>
      %dma_wait3A_31 = tpu.memref_squeeze %dma_wait3A_30 : memref<1x625x64xf32, #tpu.memory_space<hbm>> -> memref<625x64xf32, #tpu.memory_space<hbm>>
      %dma_wait3A_32 = arith.constant 0 : i32
      %dma_wait3A_33 = tpu.memref_slice %arg14[%mul3A_4, %dma_wait3A_32] : memref<10000x64xf32, #tpu.memory_space<vmem_shared>> -> memref<625x64xf32, #tpu.memory_space<vmem_shared>>
      tpu.wait_dma2 semaphore(%run_scoped3A : memref<!tpu.dma_semaphore, #tpu.memory_space<semaphore_mem>>) src(%dma_wait3A_33 : memref<625x64xf32, #tpu.memory_space<vmem_shared>>) dst(%dma_wait3A_31 : memref<625x64xf32, #tpu.memory_space<hbm>>)
      tpu.yield
    }) : () -> ()
    %eq3A_21 = arith.constant 0 : i32
    %eq3A_22 = arith.cmpi eq, %arg1, %eq3A_21 : i32
    %convert_element_type3A_23 = arith.extui %eq3A_22 : i1 to i32
    %cond3A_24 = arith.constant 0 : i32
    %cond3A_25 = arith.cmpi ne, %convert_element_type3A_23, %cond3A_24 : i32
    scf.if %cond3A_25 {
      "tpu.region"() ({
        %run_scoped3A = tpu.sem_alloc : memref<!tpu.dma_semaphore, #tpu.memory_space<semaphore_mem>>
        %dma_start3A = arith.constant 0 : i32
        %dma_start3A_26 = arith.constant 0 : i32
        %dma_start3A_27 = tpu.memref_slice %arg10[%arg0, %dma_start3A, %dma_start3A_26] : memref<2x10000x8xf32, #tpu.memory_space<hbm>> -> memref<1x10000x8xf32, #tpu.memory_space<hbm>>
        %dma_start3A_28 = tpu.memref_squeeze %dma_start3A_27 : memref<1x10000x8xf32, #tpu.memory_space<hbm>> -> memref<10000x8xf32, #tpu.memory_space<hbm>>
        tpu.enqueue_dma source(%arg15 : memref<10000x8xf32, #tpu.memory_space<vmem_shared>>) target(%dma_start3A_28 : memref<10000x8xf32, #tpu.memory_space<hbm>>) target_semaphore(%run_scoped3A : memref<!tpu.dma_semaphore, #tpu.memory_space<semaphore_mem>>)
        %dma_wait3A = arith.constant 0 : i32
        %dma_wait3A_29 = arith.constant 0 : i32
        %dma_wait3A_30 = tpu.memref_slice %arg10[%arg0, %dma_wait3A, %dma_wait3A_29] : memref<2x10000x8xf32, #tpu.memory_space<hbm>> -> memref<1x10000x8xf32, #tpu.memory_space<hbm>>
        %dma_wait3A_31 = tpu.memref_squeeze %dma_wait3A_30 : memref<1x10000x8xf32, #tpu.memory_space<hbm>> -> memref<10000x8xf32, #tpu.memory_space<hbm>>
        tpu.wait_dma2 semaphore(%run_scoped3A : memref<!tpu.dma_semaphore, #tpu.memory_space<semaphore_mem>>) src(%arg15 : memref<10000x8xf32, #tpu.memory_space<vmem_shared>>) dst(%dma_wait3A_31 : memref<10000x8xf32, #tpu.memory_space<hbm>>)
        tpu.yield
      }) : () -> ()
    } else {
    }
    return
  }
}

#map = affine_map<(d0, d1) -> (0, 0)>
#map1 = affine_map<(d0, d1) -> (0, 0, 0)>
module attributes {stable_mosaic.version = 14 : i64} {
  func.func @_pass2_body(%arg0: i32, %arg1: i32, %arg2: memref<10000x64xf32, #tpu.memory_space<hbm>>, %arg3: memref<640x1000xi32, #tpu.memory_space<hbm>>, %arg4: memref<10000x64xf32, #tpu.memory_space<hbm>>, %arg5: memref<2x10000x64xf32, #tpu.memory_space<hbm>>, %arg6: memref<2x1000xi32, #tpu.memory_space<vmem>>, %arg7: memref<1000x64xf32, #tpu.memory_space<vmem>>, %arg8: memref<10000x64xf32, #tpu.memory_space<vmem_shared>>, %arg9: memref<!tpu.dma_semaphore, #tpu.memory_space<semaphore_mem>>) attributes {dimension_semantics = [#tpu.dimension_semantics<core_parallel>, #tpu.dimension_semantics<subcore_parallel>], iteration_bounds = array<i64: 2, 16>, scalar_prefetch = 0 : i64, scratch_operands = 4 : i64, tpu.core_type = #tpu.core_type<sc_vector_subcore>, window_params = [{transform_indices = #map}, {transform_indices = #map}, {transform_indices = #map}, {transform_indices = #map1}]} {
    %mul3A = arith.constant 16 : i32
    %mul3A_0 = arith.muli %arg0, %mul3A : i32
    %add3A = arith.addi %mul3A_0, %arg1 : i32
    %mul3A_1 = arith.constant 10 : i32
    %mul3A_2 = arith.muli %add3A, %mul3A_1 : i32
    %mul3A_3 = arith.constant 625 : i32
    %mul3A_4 = arith.muli %arg1, %mul3A_3 : i32
    "tpu.region"() ({
      %run_scoped3A = tpu.sem_alloc : memref<!tpu.dma_semaphore, #tpu.memory_space<semaphore_mem>>
      %dma_start3A = arith.constant 0 : i32
      %dma_start3A_11 = tpu.memref_slice %arg8[%mul3A_4, %dma_start3A] : memref<10000x64xf32, #tpu.memory_space<vmem_shared>> -> memref<625x64xf32, #tpu.memory_space<vmem_shared>>
      %dma_start3A_12 = arith.constant 0 : i32
      %dma_start3A_13 = tpu.memref_slice %arg4[%mul3A_4, %dma_start3A_12] : memref<10000x64xf32, #tpu.memory_space<hbm>> -> memref<625x64xf32, #tpu.memory_space<hbm>>
      tpu.enqueue_dma source(%dma_start3A_13 : memref<625x64xf32, #tpu.memory_space<hbm>>) target(%dma_start3A_11 : memref<625x64xf32, #tpu.memory_space<vmem_shared>>) target_semaphore(%run_scoped3A : memref<!tpu.dma_semaphore, #tpu.memory_space<semaphore_mem>>)
      %dma_wait3A = arith.constant 0 : i32
      %dma_wait3A_14 = tpu.memref_slice %arg8[%mul3A_4, %dma_wait3A] : memref<10000x64xf32, #tpu.memory_space<vmem_shared>> -> memref<625x64xf32, #tpu.memory_space<vmem_shared>>
      %dma_wait3A_15 = arith.constant 0 : i32
      %dma_wait3A_16 = tpu.memref_slice %arg4[%mul3A_4, %dma_wait3A_15] : memref<10000x64xf32, #tpu.memory_space<hbm>> -> memref<625x64xf32, #tpu.memory_space<hbm>>
      tpu.wait_dma2 semaphore(%run_scoped3A : memref<!tpu.dma_semaphore, #tpu.memory_space<semaphore_mem>>) src(%dma_wait3A_16 : memref<625x64xf32, #tpu.memory_space<hbm>>) dst(%dma_wait3A_14 : memref<625x64xf32, #tpu.memory_space<vmem_shared>>)
      tpu.yield
    }) : () -> ()
    %barrier3A = arith.constant 0 : index
    tpu.barrier barrier_id(%barrier3A)
    %scan3A = arith.constant 0 : i32
    %scan3A_5 = arith.constant 0 : i32
    %scan3A_6 = arith.constant 10 : i32
    %scan3A_7 = arith.addi %scan3A_5, %scan3A_6 : i32
    %scan3A_8 = arith.constant 1 : i32
    scf.for %scan3A_11 = %scan3A_5 to %scan3A_7 step %scan3A_8  : i32 {
      %add3A_12 = arith.addi %mul3A_2, %scan3A_11 : i32
      %mul3A_13 = arith.constant 2 : i32
      %mul3A_14 = arith.muli %add3A_12, %mul3A_13 : i32
      "tpu.region"() ({
        %run_scoped3A_27 = tpu.sem_alloc : memref<!tpu.dma_semaphore, #tpu.memory_space<semaphore_mem>>
        %dma_start3A_28 = arith.constant 0 : i32
        %dma_start3A_29 = tpu.memref_slice %arg3[%mul3A_14, %dma_start3A_28] : memref<640x1000xi32, #tpu.memory_space<hbm>> -> memref<2x1000xi32, #tpu.memory_space<hbm>>
        %dma_start3A_30 = arith.constant 0 : i32
        %dma_start3A_31 = tpu.memref_slice %arg3[%mul3A_14, %dma_start3A_30] : memref<640x1000xi32, #tpu.memory_space<hbm>> -> memref<2x1000xi32, #tpu.memory_space<hbm>>
        tpu.enqueue_dma source(%dma_start3A_31 : memref<2x1000xi32, #tpu.memory_space<hbm>>) target(%arg6 : memref<2x1000xi32, #tpu.memory_space<vmem>>) target_semaphore(%run_scoped3A_27 : memref<!tpu.dma_semaphore, #tpu.memory_space<semaphore_mem>>)
        %dma_wait3A_32 = arith.constant 0 : i32
        %dma_wait3A_33 = tpu.memref_slice %arg3[%mul3A_14, %dma_wait3A_32] : memref<640x1000xi32, #tpu.memory_space<hbm>> -> memref<2x1000xi32, #tpu.memory_space<hbm>>
        %dma_wait3A_34 = arith.constant 0 : i32
        %dma_wait3A_35 = tpu.memref_slice %arg3[%mul3A_14, %dma_wait3A_34] : memref<640x1000xi32, #tpu.memory_space<hbm>> -> memref<2x1000xi32, #tpu.memory_space<hbm>>
        tpu.wait_dma2 semaphore(%run_scoped3A_27 : memref<!tpu.dma_semaphore, #tpu.memory_space<semaphore_mem>>) src(%dma_wait3A_35 : memref<2x1000xi32, #tpu.memory_space<hbm>>) dst(%arg6 : memref<2x1000xi32, #tpu.memory_space<vmem>>)
        tpu.yield
      }) : () -> ()
      %dma_start3A = arith.constant 0 : i32
      %dma_start3A_15 = arith.constant 0 : i32
      %dma_start3A_16 = tpu.memref_slice %arg6[%dma_start3A, %dma_start3A_15] : memref<2x1000xi32, #tpu.memory_space<vmem>> -> memref<1x1000xi32, #tpu.memory_space<vmem>>
      %dma_start3A_17 = tpu.memref_squeeze %dma_start3A_16 : memref<1x1000xi32, #tpu.memory_space<vmem>> -> memref<1000xi32, #tpu.memory_space<vmem>>
      %dma_start3A_18 = arith.constant 0 : i32
      %dma_start3A_19 = arith.constant 0 : i32
      %dma_start3A_20 = tpu.memref_slice %arg2[%dma_start3A_18, %dma_start3A_19] : memref<10000x64xf32, #tpu.memory_space<hbm>> -> memref<10000x64xf32, #tpu.memory_space<hbm>>
      tpu.enqueue_indirect_dma source(%dma_start3A_20 : memref<10000x64xf32, #tpu.memory_space<hbm>>) target(%arg7 : memref<1000x64xf32, #tpu.memory_space<vmem>>) offsets(%dma_start3A_17 : memref<1000xi32, #tpu.memory_space<vmem>>) semaphore(%arg9 : memref<!tpu.dma_semaphore, #tpu.memory_space<semaphore_mem>>)
      %dma_wait3A = arith.constant 0 : i32
      %dma_wait3A_21 = arith.constant 0 : i32
      %dma_wait3A_22 = tpu.memref_slice %arg6[%dma_wait3A, %dma_wait3A_21] : memref<2x1000xi32, #tpu.memory_space<vmem>> -> memref<1x1000xi32, #tpu.memory_space<vmem>>
      %dma_wait3A_23 = tpu.memref_squeeze %dma_wait3A_22 : memref<1x1000xi32, #tpu.memory_space<vmem>> -> memref<1000xi32, #tpu.memory_space<vmem>>
      %dma_wait3A_24 = arith.constant 0 : i32
      %dma_wait3A_25 = arith.constant 0 : i32
      %dma_wait3A_26 = tpu.memref_slice %arg2[%dma_wait3A_24, %dma_wait3A_25] : memref<10000x64xf32, #tpu.memory_space<hbm>> -> memref<10000x64xf32, #tpu.memory_space<hbm>>
      tpu.wait_indirect_dma semaphore(%arg9 : memref<!tpu.dma_semaphore, #tpu.memory_space<semaphore_mem>>) src(%dma_wait3A_26 : memref<10000x64xf32, #tpu.memory_space<hbm>>) dst(%arg7 : memref<1000x64xf32, #tpu.memory_space<vmem>>)
      %run_scoped3A = arith.constant 1 : i32
      "tpu.region"() ({
        %run_scoped3A_27 = tpu.sem_alloc : memref<!tpu.dma_semaphore, #tpu.memory_space<semaphore_mem>>
        %dma_start3A_28 = arith.constant 0 : i32
        %dma_start3A_29 = tpu.memref_slice %arg6[%run_scoped3A, %dma_start3A_28] : memref<2x1000xi32, #tpu.memory_space<vmem>> -> memref<1x1000xi32, #tpu.memory_space<vmem>>
        %dma_start3A_30 = tpu.memref_squeeze %dma_start3A_29 : memref<1x1000xi32, #tpu.memory_space<vmem>> -> memref<1000xi32, #tpu.memory_space<vmem>>
        %dma_start3A_31 = arith.constant 0 : i32
        %dma_start3A_32 = arith.constant 0 : i32
        %dma_start3A_33 = tpu.memref_slice %arg8[%dma_start3A_31, %dma_start3A_32] : memref<10000x64xf32, #tpu.memory_space<vmem_shared>> -> memref<10000x64xf32, #tpu.memory_space<vmem_shared>>
        tpu.enqueue_indirect_dma source(%arg7 : memref<1000x64xf32, #tpu.memory_space<vmem>>) target(%dma_start3A_33 : memref<10000x64xf32, #tpu.memory_space<vmem_shared>>) offsets(%dma_start3A_30 : memref<1000xi32, #tpu.memory_space<vmem>>) semaphore(%run_scoped3A_27 : memref<!tpu.dma_semaphore, #tpu.memory_space<semaphore_mem>>) {add = true}
        %dma_wait3A_34 = arith.constant 0 : i32
        %dma_wait3A_35 = tpu.memref_slice %arg6[%run_scoped3A, %dma_wait3A_34] : memref<2x1000xi32, #tpu.memory_space<vmem>> -> memref<1x1000xi32, #tpu.memory_space<vmem>>
        %dma_wait3A_36 = tpu.memref_squeeze %dma_wait3A_35 : memref<1x1000xi32, #tpu.memory_space<vmem>> -> memref<1000xi32, #tpu.memory_space<vmem>>
        %dma_wait3A_37 = arith.constant 0 : i32
        %dma_wait3A_38 = arith.constant 0 : i32
        %dma_wait3A_39 = tpu.memref_slice %arg8[%dma_wait3A_37, %dma_wait3A_38] : memref<10000x64xf32, #tpu.memory_space<vmem_shared>> -> memref<10000x64xf32, #tpu.memory_space<vmem_shared>>
        tpu.wait_indirect_dma semaphore(%run_scoped3A_27 : memref<!tpu.dma_semaphore, #tpu.memory_space<semaphore_mem>>) src(%arg7 : memref<1000x64xf32, #tpu.memory_space<vmem>>) dst(%dma_wait3A_39 : memref<10000x64xf32, #tpu.memory_space<vmem_shared>>)
        tpu.yield
      }) : () -> ()
    }
    %scan3A_9 = arith.constant 10 : i32
    %barrier3A_10 = arith.constant 0 : index
    tpu.barrier barrier_id(%barrier3A_10)
    "tpu.region"() ({
      %run_scoped3A = tpu.sem_alloc : memref<!tpu.dma_semaphore, #tpu.memory_space<semaphore_mem>>
      %dma_start3A = arith.constant 0 : i32
      %dma_start3A_11 = tpu.memref_slice %arg5[%arg0, %mul3A_4, %dma_start3A] : memref<2x10000x64xf32, #tpu.memory_space<hbm>> -> memref<1x625x64xf32, #tpu.memory_space<hbm>>
      %dma_start3A_12 = tpu.memref_squeeze %dma_start3A_11 : memref<1x625x64xf32, #tpu.memory_space<hbm>> -> memref<625x64xf32, #tpu.memory_space<hbm>>
      %dma_start3A_13 = arith.constant 0 : i32
      %dma_start3A_14 = tpu.memref_slice %arg8[%mul3A_4, %dma_start3A_13] : memref<10000x64xf32, #tpu.memory_space<vmem_shared>> -> memref<625x64xf32, #tpu.memory_space<vmem_shared>>
      tpu.enqueue_dma source(%dma_start3A_14 : memref<625x64xf32, #tpu.memory_space<vmem_shared>>) target(%dma_start3A_12 : memref<625x64xf32, #tpu.memory_space<hbm>>) target_semaphore(%run_scoped3A : memref<!tpu.dma_semaphore, #tpu.memory_space<semaphore_mem>>)
      %dma_wait3A = arith.constant 0 : i32
      %dma_wait3A_15 = tpu.memref_slice %arg5[%arg0, %mul3A_4, %dma_wait3A] : memref<2x10000x64xf32, #tpu.memory_space<hbm>> -> memref<1x625x64xf32, #tpu.memory_space<hbm>>
      %dma_wait3A_16 = tpu.memref_squeeze %dma_wait3A_15 : memref<1x625x64xf32, #tpu.memory_space<hbm>> -> memref<625x64xf32, #tpu.memory_space<hbm>>
      %dma_wait3A_17 = arith.constant 0 : i32
      %dma_wait3A_18 = tpu.memref_slice %arg8[%mul3A_4, %dma_wait3A_17] : memref<10000x64xf32, #tpu.memory_space<vmem_shared>> -> memref<625x64xf32, #tpu.memory_space<vmem_shared>>
      tpu.wait_dma2 semaphore(%run_scoped3A : memref<!tpu.dma_semaphore, #tpu.memory_space<semaphore_mem>>) src(%dma_wait3A_18 : memref<625x64xf32, #tpu.memory_space<vmem_shared>>) dst(%dma_wait3A_16 : memref<625x64xf32, #tpu.memory_space<hbm>>)
      tpu.yield
    }) : () -> ()
    return
  }
}

module attributes {stable_mosaic.version = 14 : i64} {
  func.func @_dense0_body(%arg0: i32, %arg1: memref<400x128xf32, #tpu.memory_space<vmem>>, %arg2: memref<2x400x64xf32, #tpu.memory_space<vmem>>, %arg3: memref<2x400x64xf32, #tpu.memory_space<vmem>>, %arg4: memref<2x400x8xf32, #tpu.memory_space<vmem>>, %arg5: memref<128x128xf32, #tpu.memory_space<vmem>>, %arg6: memref<128x128xf32, #tpu.memory_space<vmem>>, %arg7: memref<1x128xf32, #tpu.memory_space<vmem>>, %arg8: memref<128x64xf32, #tpu.memory_space<vmem>>, %arg9: memref<400x128xf32, #tpu.memory_space<vmem>>, %arg10: memref<400x64xf32, #tpu.memory_space<vmem>>) attributes {dimension_semantics = [#tpu.dimension_semantics<arbitrary>], iteration_bounds = array<i64: 25>, scalar_prefetch = 0 : i64, scratch_operands = 0 : i64, tpu.core_type = #tpu.core_type<tc>, window_params = [{transform_indices = @transform_0, window_bounds = array<i64: 400, 128>}, {transform_indices = @transform_1, window_bounds = array<i64: 2, 400, 64>}, {transform_indices = @transform_2, window_bounds = array<i64: 2, 400, 64>}, {transform_indices = @transform_3, window_bounds = array<i64: 2, 400, 8>}, {pipeline_mode = #tpu.pipeline_mode<synchronous>, transform_indices = @transform_4, window_bounds = array<i64: 128, 128>}, {pipeline_mode = #tpu.pipeline_mode<synchronous>, transform_indices = @transform_5, window_bounds = array<i64: 128, 128>}, {pipeline_mode = #tpu.pipeline_mode<synchronous>, transform_indices = @transform_6, window_bounds = array<i64: 1, 128>}, {pipeline_mode = #tpu.pipeline_mode<synchronous>, transform_indices = @transform_7, window_bounds = array<i64: 128, 64>}, {transform_indices = @transform_8, window_bounds = array<i64: 400, 128>}, {transform_indices = @transform_9, window_bounds = array<i64: 400, 64>}]} {
    %get3A = arith.constant 0 : index
    %get3A_0 = arith.constant 0 : index
    %get3A_1 = arith.constant 0 : index
    %get3A_2 = vector.load %arg4[%get3A, %get3A_0, %get3A_1] : memref<2x400x8xf32, #tpu.memory_space<vmem>>, vector<1x400x1xf32>
    %get3A_3 = vector.shape_cast %get3A_2 : vector<1x400x1xf32> to vector<400x1xf32>
    %get3A_4 = arith.constant 1 : index
    %get3A_5 = arith.constant 0 : index
    %get3A_6 = arith.constant 0 : index
    %get3A_7 = vector.load %arg4[%get3A_4, %get3A_5, %get3A_6] : memref<2x400x8xf32, #tpu.memory_space<vmem>>, vector<1x400x1xf32>
    %get3A_8 = vector.shape_cast %get3A_7 : vector<1x400x1xf32> to vector<400x1xf32>
    %add3A = arith.addf %get3A_3, %get3A_8 : vector<400x1xf32>
    %max3A = arith.constant 1.000000e+00 : f32
    %max3A_9 = vector.broadcast %max3A : f32 to vector<400x1xf32>
    %max3A_10 = arith.maximumf %add3A, %max3A_9 : vector<400x1xf32>
    %get3A_11 = arith.constant 0 : index
    %get3A_12 = arith.constant 0 : index
    %get3A_13 = arith.constant 0 : index
    %get3A_14 = vector.load %arg2[%get3A_11, %get3A_12, %get3A_13] : memref<2x400x64xf32, #tpu.memory_space<vmem>>, vector<1x400x64xf32>
    %get3A_15 = vector.shape_cast %get3A_14 : vector<1x400x64xf32> to vector<400x64xf32>
    %get3A_16 = arith.constant 1 : index
    %get3A_17 = arith.constant 0 : index
    %get3A_18 = arith.constant 0 : index
    %get3A_19 = vector.load %arg2[%get3A_16, %get3A_17, %get3A_18] : memref<2x400x64xf32, #tpu.memory_space<vmem>>, vector<1x400x64xf32>
    %get3A_20 = vector.shape_cast %get3A_19 : vector<1x400x64xf32> to vector<400x64xf32>
    %add3A_21 = arith.addf %get3A_15, %get3A_20 : vector<400x64xf32>
    %div3A = vector.broadcast %max3A_10 : vector<400x1xf32> to vector<400x64xf32>
    %div3A_22 = arith.divf %add3A_21, %div3A : vector<400x64xf32>
    %get3A_23 = arith.constant 0 : index
    %get3A_24 = arith.constant 0 : index
    %get3A_25 = arith.constant 0 : index
    %get3A_26 = vector.load %arg3[%get3A_23, %get3A_24, %get3A_25] : memref<2x400x64xf32, #tpu.memory_space<vmem>>, vector<1x400x64xf32>
    %get3A_27 = vector.shape_cast %get3A_26 : vector<1x400x64xf32> to vector<400x64xf32>
    %get3A_28 = arith.constant 1 : index
    %get3A_29 = arith.constant 0 : index
    %get3A_30 = arith.constant 0 : index
    %get3A_31 = vector.load %arg3[%get3A_28, %get3A_29, %get3A_30] : memref<2x400x64xf32, #tpu.memory_space<vmem>>, vector<1x400x64xf32>
    %get3A_32 = vector.shape_cast %get3A_31 : vector<1x400x64xf32> to vector<400x64xf32>
    %add3A_33 = arith.addf %get3A_27, %get3A_32 : vector<400x64xf32>
    %div3A_34 = vector.broadcast %max3A_10 : vector<400x1xf32> to vector<400x64xf32>
    %div3A_35 = arith.divf %add3A_33, %div3A_34 : vector<400x64xf32>
    %get3A_36 = arith.constant 0 : index
    %get3A_37 = arith.constant 0 : index
    %get3A_38 = vector.load %arg1[%get3A_36, %get3A_37] : memref<400x128xf32, #tpu.memory_space<vmem>>, vector<400x128xf32>
    %get3A_39 = arith.constant 0 : index
    %get3A_40 = arith.constant 0 : index
    %get3A_41 = vector.load %arg5[%get3A_39, %get3A_40] : memref<128x128xf32, #tpu.memory_space<vmem>>, vector<128x128xf32>
    %dot_general3A = arith.constant dense<0.000000e+00> : vector<400x128xf32>
    %dot_general3A_42 = tpu.matmul %get3A_38, %get3A_41, %dot_general3A {dimension_numbers = #tpu.dot_dimension_numbers<[1], [0], [0], [1], [0, 0, 1, 1], [], []>, transpose_lhs_hint = false} : vector<400x128xf32>, vector<128x128xf32>, vector<400x128xf32> -> vector<400x128xf32>
    %get3A_43 = arith.constant 0 : index
    %get3A_44 = arith.constant 0 : index
    %get3A_45 = vector.load %arg6[%get3A_43, %get3A_44] : memref<128x128xf32, #tpu.memory_space<vmem>>, vector<64x128xf32>
    %dot_general3A_46 = arith.constant dense<0.000000e+00> : vector<400x128xf32>
    %dot_general3A_47 = tpu.matmul %div3A_22, %get3A_45, %dot_general3A_46 {dimension_numbers = #tpu.dot_dimension_numbers<[1], [0], [0], [1], [0, 0, 1, 1], [], []>, transpose_lhs_hint = false} : vector<400x64xf32>, vector<64x128xf32>, vector<400x128xf32> -> vector<400x128xf32>
    %add3A_48 = arith.addf %dot_general3A_42, %dot_general3A_47 : vector<400x128xf32>
    %get3A_49 = arith.constant 64 : index
    %get3A_50 = arith.constant 0 : index
    %get3A_51 = vector.load %arg6[%get3A_49, %get3A_50] : memref<128x128xf32, #tpu.memory_space<vmem>>, vector<64x128xf32>
    %dot_general3A_52 = arith.constant dense<0.000000e+00> : vector<400x128xf32>
    %dot_general3A_53 = tpu.matmul %div3A_35, %get3A_51, %dot_general3A_52 {dimension_numbers = #tpu.dot_dimension_numbers<[1], [0], [0], [1], [0, 0, 1, 1], [], []>, transpose_lhs_hint = false} : vector<400x64xf32>, vector<64x128xf32>, vector<400x128xf32> -> vector<400x128xf32>
    %add3A_54 = arith.addf %add3A_48, %dot_general3A_53 : vector<400x128xf32>
    %get3A_55 = arith.constant 0 : index
    %get3A_56 = arith.constant 0 : index
    %get3A_57 = vector.load %arg7[%get3A_55, %get3A_56] : memref<1x128xf32, #tpu.memory_space<vmem>>, vector<1x128xf32>
    %add3A_58 = vector.broadcast %get3A_57 : vector<1x128xf32> to vector<400x128xf32>
    %add3A_59 = arith.addf %add3A_54, %add3A_58 : vector<400x128xf32>
    %max3A_60 = arith.constant 0.000000e+00 : f32
    %max3A_61 = vector.broadcast %max3A_60 : f32 to vector<400x128xf32>
    %max3A_62 = arith.maximumf %add3A_59, %max3A_61 : vector<400x128xf32>
    %swap3A = arith.constant 0 : index
    %swap3A_63 = arith.constant 0 : index
    %swap3A_64 = vector.load %arg9[%swap3A, %swap3A_63] : memref<400x128xf32, #tpu.memory_space<vmem>>, vector<400x128xf32>
    tpu.vector_store %arg9[%swap3A, %swap3A_63], %max3A_62 {strides = array<i32>} : memref<400x128xf32, #tpu.memory_space<vmem>>, vector<400x128xf32>,
    %get3A_65 = arith.constant 0 : index
    %get3A_66 = arith.constant 0 : index
    %get3A_67 = vector.load %arg8[%get3A_65, %get3A_66] : memref<128x64xf32, #tpu.memory_space<vmem>>, vector<128x64xf32>
    %dot_general3A_68 = arith.constant dense<0.000000e+00> : vector<400x64xf32>
    %dot_general3A_69 = tpu.matmul %max3A_62, %get3A_67, %dot_general3A_68 {dimension_numbers = #tpu.dot_dimension_numbers<[1], [0], [0], [1], [0, 0, 1, 1], [], []>, transpose_lhs_hint = false} : vector<400x128xf32>, vector<128x64xf32>, vector<400x64xf32> -> vector<400x64xf32>
    %swap3A_70 = arith.constant 0 : index
    %swap3A_71 = arith.constant 0 : index
    %swap3A_72 = vector.load %arg10[%swap3A_70, %swap3A_71] : memref<400x64xf32, #tpu.memory_space<vmem>>, vector<400x64xf32>
    tpu.vector_store %arg10[%swap3A_70, %swap3A_71], %dot_general3A_69 {strides = array<i32>} : memref<400x64xf32, #tpu.memory_space<vmem>>, vector<400x64xf32>,
    return
  }
  func.func @transform_0(%arg0: i32) -> (i32, i32) {
    %c0_i32 = arith.constant 0 : i32
    %c0_i32_0 = arith.constant 0 : i32
    return %arg0, %c0_i32 : i32, i32
  }
  func.func @transform_1(%arg0: i32) -> (i32, i32, i32) {
    %c0_i32 = arith.constant 0 : i32
    %c0_i32_0 = arith.constant 0 : i32
    %c0_i32_1 = arith.constant 0 : i32
    return %c0_i32, %arg0, %c0_i32_0 : i32, i32, i32
  }
  func.func @transform_2(%arg0: i32) -> (i32, i32, i32) {
    %c0_i32 = arith.constant 0 : i32
    %c0_i32_0 = arith.constant 0 : i32
    %c0_i32_1 = arith.constant 0 : i32
    return %c0_i32, %arg0, %c0_i32_0 : i32, i32, i32
  }
  func.func @transform_3(%arg0: i32) -> (i32, i32, i32) {
    %c0_i32 = arith.constant 0 : i32
    %c0_i32_0 = arith.constant 0 : i32
    %c0_i32_1 = arith.constant 0 : i32
    return %c0_i32, %arg0, %c0_i32_0 : i32, i32, i32
  }
  func.func @transform_4(%arg0: i32) -> (i32, i32) {
    %c0_i32 = arith.constant 0 : i32
    %c0_i32_0 = arith.constant 0 : i32
    %c0_i32_1 = arith.constant 0 : i32
    return %c0_i32, %c0_i32_0 : i32, i32
  }
  func.func @transform_5(%arg0: i32) -> (i32, i32) {
    %c0_i32 = arith.constant 0 : i32
    %c0_i32_0 = arith.constant 0 : i32
    %c0_i32_1 = arith.constant 0 : i32
    return %c0_i32, %c0_i32_0 : i32, i32
  }
  func.func @transform_6(%arg0: i32) -> (i32, i32) {
    %c0_i32 = arith.constant 0 : i32
    %c0_i32_0 = arith.constant 0 : i32
    %c0_i32_1 = arith.constant 0 : i32
    return %c0_i32, %c0_i32_0 : i32, i32
  }
  func.func @transform_7(%arg0: i32) -> (i32, i32) {
    %c0_i32 = arith.constant 0 : i32
    %c0_i32_0 = arith.constant 0 : i32
    %c0_i32_1 = arith.constant 0 : i32
    return %c0_i32, %c0_i32_0 : i32, i32
  }
  func.func @transform_8(%arg0: i32) -> (i32, i32) {
    %c0_i32 = arith.constant 0 : i32
    %c0_i32_0 = arith.constant 0 : i32
    return %arg0, %c0_i32 : i32, i32
  }
  func.func @transform_9(%arg0: i32) -> (i32, i32) {
    %c0_i32 = arith.constant 0 : i32
    %c0_i32_0 = arith.constant 0 : i32
    return %arg0, %c0_i32 : i32, i32
  }
}

module attributes {stable_mosaic.version = 14 : i64} {
  func.func @_dense1_body(%arg0: i32, %arg1: memref<400x128xf32, #tpu.memory_space<vmem>>, %arg2: memref<2x400x64xf32, #tpu.memory_space<vmem>>, %arg3: memref<2x400x8xf32, #tpu.memory_space<vmem>>, %arg4: memref<128x64xf32, #tpu.memory_space<vmem>>, %arg5: memref<1x64xf32, #tpu.memory_space<vmem>>, %arg6: memref<400x64xf32, #tpu.memory_space<vmem>>) attributes {dimension_semantics = [#tpu.dimension_semantics<arbitrary>], iteration_bounds = array<i64: 25>, scalar_prefetch = 0 : i64, scratch_operands = 0 : i64, tpu.core_type = #tpu.core_type<tc>, window_params = [{transform_indices = @transform_0, window_bounds = array<i64: 400, 128>}, {transform_indices = @transform_1, window_bounds = array<i64: 2, 400, 64>}, {transform_indices = @transform_2, window_bounds = array<i64: 2, 400, 8>}, {pipeline_mode = #tpu.pipeline_mode<synchronous>, transform_indices = @transform_3, window_bounds = array<i64: 128, 64>}, {pipeline_mode = #tpu.pipeline_mode<synchronous>, transform_indices = @transform_4, window_bounds = array<i64: 1, 64>}, {transform_indices = @transform_5, window_bounds = array<i64: 400, 64>}]} {
    %get3A = arith.constant 0 : index
    %get3A_0 = arith.constant 0 : index
    %get3A_1 = arith.constant 0 : index
    %get3A_2 = vector.load %arg3[%get3A, %get3A_0, %get3A_1] : memref<2x400x8xf32, #tpu.memory_space<vmem>>, vector<1x400x1xf32>
    %get3A_3 = vector.shape_cast %get3A_2 : vector<1x400x1xf32> to vector<400x1xf32>
    %get3A_4 = arith.constant 1 : index
    %get3A_5 = arith.constant 0 : index
    %get3A_6 = arith.constant 0 : index
    %get3A_7 = vector.load %arg3[%get3A_4, %get3A_5, %get3A_6] : memref<2x400x8xf32, #tpu.memory_space<vmem>>, vector<1x400x1xf32>
    %get3A_8 = vector.shape_cast %get3A_7 : vector<1x400x1xf32> to vector<400x1xf32>
    %add3A = arith.addf %get3A_3, %get3A_8 : vector<400x1xf32>
    %max3A = arith.constant 1.000000e+00 : f32
    %max3A_9 = vector.broadcast %max3A : f32 to vector<400x1xf32>
    %max3A_10 = arith.maximumf %add3A, %max3A_9 : vector<400x1xf32>
    %get3A_11 = arith.constant 0 : index
    %get3A_12 = arith.constant 0 : index
    %get3A_13 = arith.constant 0 : index
    %get3A_14 = vector.load %arg2[%get3A_11, %get3A_12, %get3A_13] : memref<2x400x64xf32, #tpu.memory_space<vmem>>, vector<1x400x64xf32>
    %get3A_15 = vector.shape_cast %get3A_14 : vector<1x400x64xf32> to vector<400x64xf32>
    %get3A_16 = arith.constant 1 : index
    %get3A_17 = arith.constant 0 : index
    %get3A_18 = arith.constant 0 : index
    %get3A_19 = vector.load %arg2[%get3A_16, %get3A_17, %get3A_18] : memref<2x400x64xf32, #tpu.memory_space<vmem>>, vector<1x400x64xf32>
    %get3A_20 = vector.shape_cast %get3A_19 : vector<1x400x64xf32> to vector<400x64xf32>
    %add3A_21 = arith.addf %get3A_15, %get3A_20 : vector<400x64xf32>
    %div3A = vector.broadcast %max3A_10 : vector<400x1xf32> to vector<400x64xf32>
    %div3A_22 = arith.divf %add3A_21, %div3A : vector<400x64xf32>
    %get3A_23 = arith.constant 0 : index
    %get3A_24 = arith.constant 0 : index
    %get3A_25 = vector.load %arg1[%get3A_23, %get3A_24] : memref<400x128xf32, #tpu.memory_space<vmem>>, vector<400x128xf32>
    %get3A_26 = arith.constant 0 : index
    %get3A_27 = arith.constant 0 : index
    %get3A_28 = vector.load %arg4[%get3A_26, %get3A_27] : memref<128x64xf32, #tpu.memory_space<vmem>>, vector<128x64xf32>
    %dot_general3A = arith.constant dense<0.000000e+00> : vector<400x64xf32>
    %dot_general3A_29 = tpu.matmul %get3A_25, %get3A_28, %dot_general3A {dimension_numbers = #tpu.dot_dimension_numbers<[1], [0], [0], [1], [0, 0, 1, 1], [], []>, transpose_lhs_hint = false} : vector<400x128xf32>, vector<128x64xf32>, vector<400x64xf32> -> vector<400x64xf32>
    %add3A_30 = arith.addf %dot_general3A_29, %div3A_22 : vector<400x64xf32>
    %get3A_31 = arith.constant 0 : index
    %get3A_32 = arith.constant 0 : index
    %get3A_33 = vector.load %arg5[%get3A_31, %get3A_32] : memref<1x64xf32, #tpu.memory_space<vmem>>, vector<1x64xf32>
    %add3A_34 = vector.broadcast %get3A_33 : vector<1x64xf32> to vector<400x64xf32>
    %add3A_35 = arith.addf %add3A_30, %add3A_34 : vector<400x64xf32>
    %swap3A = arith.constant 0 : index
    %swap3A_36 = arith.constant 0 : index
    %swap3A_37 = vector.load %arg6[%swap3A, %swap3A_36] : memref<400x64xf32, #tpu.memory_space<vmem>>, vector<400x64xf32>
    tpu.vector_store %arg6[%swap3A, %swap3A_36], %add3A_35 {strides = array<i32>} : memref<400x64xf32, #tpu.memory_space<vmem>>, vector<400x64xf32>,
    return
  }
  func.func @transform_0(%arg0: i32) -> (i32, i32) {
    %c0_i32 = arith.constant 0 : i32
    %c0_i32_0 = arith.constant 0 : i32
    return %arg0, %c0_i32 : i32, i32
  }
  func.func @transform_1(%arg0: i32) -> (i32, i32, i32) {
    %c0_i32 = arith.constant 0 : i32
    %c0_i32_0 = arith.constant 0 : i32
    %c0_i32_1 = arith.constant 0 : i32
    return %c0_i32, %arg0, %c0_i32_0 : i32, i32, i32
  }
  func.func @transform_2(%arg0: i32) -> (i32, i32, i32) {
    %c0_i32 = arith.constant 0 : i32
    %c0_i32_0 = arith.constant 0 : i32
    %c0_i32_1 = arith.constant 0 : i32
    return %c0_i32, %arg0, %c0_i32_0 : i32, i32, i32
  }
  func.func @transform_3(%arg0: i32) -> (i32, i32) {
    %c0_i32 = arith.constant 0 : i32
    %c0_i32_0 = arith.constant 0 : i32
    %c0_i32_1 = arith.constant 0 : i32
    return %c0_i32, %c0_i32_0 : i32, i32
  }
  func.func @transform_4(%arg0: i32) -> (i32, i32) {
    %c0_i32 = arith.constant 0 : i32
    %c0_i32_0 = arith.constant 0 : i32
    %c0_i32_1 = arith.constant 0 : i32
    return %c0_i32, %c0_i32_0 : i32, i32
  }
  func.func @transform_5(%arg0: i32) -> (i32, i32) {
    %c0_i32 = arith.constant 0 : i32
    %c0_i32_0 = arith.constant 0 : i32
    return %arg0, %c0_i32 : i32, i32
  }
}

</mosaic_0001>

<sc_bundles>
// kernel: kernel.6.cloned.1.call-start
scs
__scs_entry_jumppad:
0x0: {  	(pc) =	sbr.rel $0x88, $3  }
0x1: {  	(tag) =	ssettag $0x0;
	lr =	simm.s32 $0x1  }
0x2: {  	[smem:$0x3F99] =	sst lr;
	_ =	strace $0xD0000000  }
0x3: {  	_ = 	snop  }
0x4: {  	_ = 	snop  }
0x5: {  	_ = 	snop  }
0x6: {  	_ = 	snop  }
0x7: {  	_ = 	snop  }
__scs_overlays_trampoline_lowered:
0x8: {  	[smem:$0x3FA8] =	sst s0  }
0x9: {  	[smem:$0x3FA9] =	sst s1  }
0xa: {  	[smem:$0x3FAA] =	sst s2  }
0xb: {  	[smem:$0x3FAB] =	sst s3  }
0xc: {  	[smem:$0x3FAC] =	sst s4  }
0xd: {  	[smem:$0x3FAD] =	sst s5  }
0xe: {  	[smem:$0x3FAE] =	sst s6  }
0xf: {  	[smem:$0x3FAF] =	sst s7  }
0x10: {  	[smem:$0x3FB0] =	sst s8  }
0x11: {  	[smem:$0x3FB1] =	sst s9;
	s0 =	simm.s32 @!p0 $0x0  }
0x12: {  	s1 =	sld [smem:$0x3F97];
	s0 =	simm.s32 @p0 $0x1  }
0x13: {  	[smem:$0x3FB2] =	sst s0;
	s0 =	simm.s32 @!p1 $0x0  }
0x14: {  	s2 =	sld [smem:$0x3F96];
	s0 =	simm.s32 @p1 $0x1  }
0x15: {  	[smem:$0x3FB3] =	sst s0;
	s0 =	simm.s32 @!p2 $0x0  }
0x16: {  	s3 =	sld [smem:$0x3FDB];
	s0 =	simm.s32 @p2 $0x1  }
0x17: {  	s4 =	simm.s32 $0x1BF5;
	[smem:$0x3FB5] =	sst s0  }
0x18: {  	s0 =	sld [smem:$0x3F98];
	_ =	swait.ge [sflag:s4], $0x0  }
0x19: {  	s7 =	sld [smem:$0x3F99]  }
0x1a: {  	s8 =	sadd.s32 $0xFFFFE003, lr  }
0x1b: {  	s9 =	sadd.s32 $0xFFFFFEF7, lr;
	s5 =	simm.s32 $0xFFFFFFFF;
	p2 =	slt.u32 s8, $0xFFFFF086  }
0x1c: {  	p1 =	slt.u32 s9, $0xF7A;
	s5 =	simm.s32 @!p2 $0x0  }
0x1d: {  	s5 =	simm.s32 @p1 $0x1;
	p0 =	seq.s32 s7, s2  }
0x1e: {  	s7 =	smul.u32 @!p0 $0xF7A, s2;
	p2 =	seq.s32 @!p0 s5, $0x0  }
0x1f: {  	s9 =	smul.u32 $0xF7A, s1;
	s8 =	simm.s32 @!p0 $0x1BF5;
	p2 =	por !p2, p0  }
0x20: {  	[sflag:s8] =	ssyncset.s32 @!p0 $0xFFFFF086;
	s6 =	sadd.s32 @!p0 s3, s7;
	s7 =	simm.s32 @!p0 $0x108  }
0x21: {  	s3 =	sadd.s32 s3, s9;
	s6 =	sadd.s32 @!p0 $0x88, s6;
	s7 =	simm.s32 @p2 $0x1082  }
0x22: {  	[simem:s7], [sflag:s8] =	dma.local @!p0 [hbm:s6], $0xF7A  }
0x23: {  	s9 =	sor.u32 $0xD0000000, s2;
	s6 =	simm.s32 $0x108;
	_ =	swait.ge @!p0 [sflag:s8], $0x0  }
0x24: {  	s3 =	sadd.s32 $0x88, s3;
	s6 =	simm.s32 @!p1 $0x1082;
	[sflag:s4] =	ssyncset.s32 $0xFFFFF086  }
0x25: {  	[simem:s6], [sflag:s4] =	dma.local [hbm:s3], $0xF7A  }
0x26: {  	[smem:$0x3F99] =	sst s1;
	(tag) =	ssettag s2;
	_ =	strace s9  }
0x27: {  	s1 =	sld [smem:$0x3FA9]  }
0x28: {  	s2 =	sld [smem:$0x3FAA]  }
0x29: {  	s4 =	sld [smem:$0x3FAC]  }
0x2a: {  	p0 =	seq.s32 s5, $0x0;
	s5 =	sld [smem:$0x3FAD]  }
0x2b: {  	s6 =	sld [smem:$0x3FAE]  }
0x2c: {  	s7 =	sld [smem:$0x3FAF]  }
0x2d: {  	s3 =	simm.s32 $0x108;
	s8 =	sld [smem:$0x3FB0]  }
0x2e: {  	s3 =	simm.s32 @!p0 $0x1082;
	s9 =	sld [smem:$0x3FB1]  }
0x2f: {  	lr =	sadd.s32 s0, s3;
	s0 =	sld [smem:$0x3FA8]  }
0x30: {  	s3 =	sld [smem:$0x3FAB]  }
0x31: {  	[smem:$0x3FB4] =	sst s10  }
0x32: {  	s10 =	sld [smem:$0x3FB2];
	_ =	sdelay $0x3  }
0x33: {  	p0 =	seq.s32 s10, $0x1;
	s10 =	sld [smem:$0x3FB4];
	_ =	sdelay $0x3  }
0x34: {  	[smem:$0x3FB4] =	sst s10  }
0x35: {  	s10 =	sld [smem:$0x3FB3];
	_ =	sdelay $0x3  }
0x36: {  	p1 =	seq.s32 s10, $0x1;
	s10 =	sld [smem:$0x3FB4];
	_ =	sdelay $0x3  }
0x37: {  	[smem:$0x3FB4] =	sst s10  }
0x38: {  	s10 =	sld [smem:$0x3FB5]  }
0x39: {  	_ = 	snop;
	(pc) =	sbr.ind lr, $3  }
0x3a: {  	_ = 	snop  }
0x3b: {  	_ = 	snop  }
0x3c: {  	p2 =	seq.s32 s10, $0x1;
	s10 =	sld [smem:$0x3FB4]  }
0x3d: {  	_ =	shalt  }
0x3e: {  	_ =	shalt  }
0x3f: {  	_ =	shalt  }
0x40: {  	_ =	shalt  }
0x41: {  	_ =	shalt  }
0x42: {  	_ =	shalt  }
0x43: {  	_ =	shalt  }
0x44: {  	_ =	shalt  }
0x45: {  	_ =	shalt  }
0x46: {  	_ =	shalt  }
0x47: {  	_ =	shalt  }
0x48: {  	_ =	shalt  }
0x49: {  	_ =	shalt  }
0x4a: {  	_ =	shalt  }
0x4b: {  	_ =	shalt  }
0x4c: {  	_ =	shalt  }
0x4d: {  	_ =	shalt  }
0x4e: {  	_ =	shalt  }
0x4f: {  	_ =	shalt  }
0x50: {  	_ =	shalt  }
0x51: {  	_ =	shalt  }
0x52: {  	_ =	shalt  }
0x53: {  	_ =	shalt  }
0x54: {  	_ =	shalt  }
0x55: {  	_ =	shalt  }
0x56: {  	_ =	shalt  }
0x57: {  	_ =	shalt  }
0x58: {  	_ =	shalt  }
0x59: {  	_ =	shalt  }
0x5a: {  	_ =	shalt  }
0x5b: {  	_ =	shalt  }
0x5c: {  	_ =	shalt  }
0x5d: {  	_ =	shalt  }
0x5e: {  	_ =	shalt  }
0x5f: {  	_ =	shalt  }
0x60: {  	_ =	shalt  }
0x61: {  	_ =	shalt  }
0x62: {  	_ =	shalt  }
0x63: {  	_ =	shalt  }
0x64: {  	_ =	shalt  }
0x65: {  	_ =	shalt  }
0x66: {  	_ =	shalt  }
0x67: {  	_ =	shalt  }
0x68: {  	_ =	shalt  }
0x69: {  	_ =	shalt  }
0x6a: {  	_ =	shalt  }
0x6b: {  	_ =	shalt  }
0x6c: {  	_ =	shalt  }
0x6d: {  	_ =	shalt  }
0x6e: {  	_ =	shalt  }
0x6f: {  	_ =	shalt  }
0x70: {  	_ =	shalt  }
0x71: {  	_ =	shalt  }
0x72: {  	_ =	shalt  }
0x73: {  	_ =	shalt  }
0x74: {  	_ =	shalt  }
0x75: {  	_ =	shalt  }
0x76: {  	_ =	shalt  }
0x77: {  	_ =	shalt  }
0x78: {  	_ =	shalt  }
0x79: {  	_ =	shalt  }
0x7a: {  	_ =	shalt  }
0x7b: {  	_ =	shalt  }
0x7c: {  	_ =	shalt  }
0x7d: {  	_ =	shalt  }
0x7e: {  	_ =	shalt  }
0x7f: {  	_ =	shalt  }
0x80: {  	_ =	shalt  }
0x81: {  	_ =	shalt  }
0x82: {  	_ =	shalt  }
0x83: {  	_ =	shalt  }
0x84: {  	_ =	shalt  }
0x85: {  	_ =	shalt  }
0x86: {  	_ =	shalt  }
0x87: {  	_ =	shalt  }
.Lfunc_end0:
.L_simem_size_0:
called_computation_lowered:
.L_overlay_start_0:
0x88: {  	s2 =	sld [smem:$0x3FD9]  }
0x89: {  	s3 =	sld [smem:$0x3FFE];
	_ =	sdelay $0x1  }
0x8a: {  	s1 =	srdreg.scid  }
0x8b: {  	s0 =	sand.u32 $0x1, s1  }
0x8c: {  	s17 =	sshll.u32 s0, $0xA;
	s2 =	sadd.s32 s3, s2  }
0x8d: {  	s2 =	sadd.s32 s2, s17  }
0x8e: {  	[smem:$0x3FC0] =	sst s2  }
0x8f: {  	_ = 	snop  }
0x90: {  	s2 =	sld [smem:$0x3FD0];
	(tm) =	ssettm $0x1  }
0x91: {  	s18 =	sld [smem:$0x3FFB];
	_ =	sdelay $0x3  }
0x92: {  	_ =	strace s18  }
0x93: {  	s3 =	sld [smem:$0x3FFC];
	_ =	sdelay $0x3  }
0x94: {  	_ =	strace s3  }
0x95: {  	s3 =	sld [smem:$0x3FFD];
	_ =	sdelay $0x3  }
0x96: {  	_ =	strace s3  }
0x97: {  	_ =	strace $0x8FFFFFFF  }
0x98: {  	s19 =	sld [smem:$0x3FDB];
	_ =	sdelay $0x1  }
0x99: {  	s4 =	simm.s32 $_scs_section_size  }
0x9a: {  	s5 =	simm.s32 $_size__tile_overlayer_lowered;
	s6 =	simm.s32 $_tile_overlayer_lowered  }
0x9b: {  	s22 =	simm.s32 $0x1BFF;
	s21 =	sshll.u32 s6, $0x1;
	s3 =	sadd.s32 s4, s19  }
0x9c: {  	s7 =	simm.s32 $0x0;
	s20 =	sshll.u32 s5, $0x1;
	s5 =	sadd.s32 s21, s3  }
0x9d: {  	[timem:s7], [sflag:s22] =	dma.local [hbm:s5], s20  }
0x9e: {  	_ =	swait.ge [sflag:s22], s20  }
0x9f: {  	s4 =	ssub.s32 $0x0, s20;
	[sflag:s22] =	ssyncset.done $0x0  }
0xa0: {  	[sflag:s22] =	ssyncadd.s32 s4;
	_ =	sdelay $0x1  }
0xa1: {  	s23 =	simm.s32 $0x1B8B  }
0xa2: {  	_ =	swait.ge [sflag:s23], $0x1  }
0xa3: {  	[sflag:s23] =	ssyncset.done $0x0  }
0xa4: {  	s25 =	simm.s32 $0x1B8E;
	s24 =	sld [smem:$0x3FFE];
	[sflag:s23] =	ssyncadd.s32 $0xFFFFFFFF  }
0xa5: {  	s26 =	simm.s32 $execute0_lowered;
	[smem:$0x3FD2] =	sst s25  }
0xa6: {  	s5 =	sshll.u32 s26, $0x1;
	_ =	strace $0x80000046;
	[dreg:$0x1] =	wrdreg $0xFFFFFFFF  }
0xa7: {  	s28 =	simm.s32 $_size_execute0_lowered;
	s3 =	sadd.s32 s3, s5;
	[dreg:$0x0] =	wrdreg $0x0  }
0xa8: {  	s5 =	sshll.u32 s28, $0x1;
	[dreg:$0x2] =	wrdreg s3  }
0xa9: {  	[dreg:$0x3] =	wrdreg s5  }
0xaa: {  	[dreg:$0x4] =	wrdreg $0xC0  }
0xab: {  	_ =	task [dreg:s7], $0x5FFFF  }
0xac: {  	[dreg:$0x1] =	wrdreg $0xFFFFFFFF  }
0xad: {  	[dreg:$0x0] =	wrdreg $0x60  }
0xae: {  	[dreg:$0x2] =	wrdreg s2  }
0xaf: {  	[dreg:$0x3] =	wrdreg s24  }
0xb0: {  	[dreg:$0x4] =	wrdreg $0x121100  }
0xb1: {  	[dreg:$0x5] =	wrdreg $0x1BD500  }
0xb2: {  	[dreg:$0x6] =	wrdreg $0x9  }
0xb3: {  	_ =	task.clear_ibuf [dreg:s7], $0x7FFFF;
	_ =	strace $0x90000046  }
0xb4: {  	s29 =	simm.s32 $0x9;
	_ =	strace $0x80000048  }
0xb5: {  	_ =	swait.ge [sflag:s29], $0x1  }
0xb6: {  	[sflag:s29] =	ssyncadd.s32 $0xFFFFFFFF  }
0xb7: {  	_ =	strace $0x90000048  }
0xb8: {  	_ =	sfence  }
0xb9: {  	s30 =	sld [smem:$0x0];
	_ =	sdelay $0x2  }
0xba: {  	s31 =	sshll.u32 s1, $0xD;
	s1 =	sshrl.u32 s1, $0x2  }
0xbb: {  	s3 =	sand.u32 $0x4000, s31;
	s1 =	sadd.s32 s1, s30  }
0xbc: {  	s0 =	sor.u32 s3, s0;
	s1 =	sshll.u32 s1, $0x11  }
0xbd: {  	s0 =	sor.u32 s1, s0  }
0xbe: {  	s0 =	sadd.s32 $0x8F2B, s0  }
0xbf: {  	[sflag:s0] =	ssyncadd.remote.s32 $0x1  }
0xc0: {  	_ =	sfence.sel $0xFFFF  }
0xc1: {  	[dreg:$0x0] =	wrdreg $0xFFFFFFFF;
	(pc) =	sbr.abs _section_cstart, $3  }
0xc2: {  	[dreg:$0x1] =	wrdreg $0xFFFFFFFF  }
0xc3: {  	_ =	task.clear_ibuf [dreg:s7], $0x2FFFF;
	_ =	strace $0x9FFFFFFF  }
0xc4: {  	(tm) =	ssettm $0x7FFFFFFF  }
0xc5: {  	_ =	shalt  }
tec
execute0_lowered:
.L_overlay_start_1:
0x0: {  	(tag) =	ssettag $0x1  }
0x1: {  	s1 =	rddreg [dreg:$0x0]  }
0x2: {  	s8 =	rddreg [dreg:$0x1]  }
0x3: {  	s2 =	rddreg [dreg:$0x2]  }
0x4: {  	s3 =	rddreg [dreg:$0x3]  }
0x5: {  	s0 =	rddreg [dreg:$0x4];
	s4 =	simm.s32 $0x0;
	s5 =	srdreg.scid  }
0x6: {  	s15 =	stileid.u32;
	s18 =	simm.s32 $0x101D0;
	s19 =	simm.s32 $0x3E8  }
0x7: {  	s20 =	simm.s32 $0x7D0;
	s21 =	simm.s32 $0x1;
	s9 =	smul.u32 $0x9C40, s15  }
0x8: {  	s22 =	simm.s32 $0x2;
	s7 =	sand.u32 $0x1, s5;
	s17 =	smul.u32 $0x9C4, s15  }
0x9: {  	s23 =	simm.s32 $0x0;
	[smem:$0x7FF] =	sst s4;
	s6 =	smul.u32 $0x9C40, s7  }
0xa: {  	s5 =	sadd.s32 $0x2A00, s8;
	s31 =	sshll.u32 s15, $0x6;
	s11 =	smul.u32 $0x9C400, s7  }
0xb: {  	p0 =	sne.s32 s15, $0x0;
	_ =	strace $0x80000047;
	s12 =	smul.u32 $0x2710, s7  }
0xc: {  	s14 =	ssub.s32 $0x2, s7;
	s7 =	sadd.s32 $0x40000, s8;
	s10 =	sshrl.u32 s9, $0x3  }
0xd: {  	s16 =	sshrl.u32 s14, $0x1;
	s30 =	sadd.s32 s9, s2;
	s13 =	sadd.s32 s6, s8  }
0xe: {  	s10 =	sadd.s32 s10, s8;
	s6 =	sadd.s32 $0x3D800, s8;
	s11 =	sadd.s32 s9, s11  }
0xf: {  	s12 =	sadd.s32 s12, s8;
	s14 =	ssub.s32 s14, s16;
	s9 =	sor.u32 $0x1C03, s31  }
0x10: {  	s15 =	sshrl.u32 s30, $0x3;
	s16 =	simm.s32 $0x3;
	s11 =	sshrl.u32 s11, $0x3  }
0x11: {  	s12 =	sadd.s32 $0x40400, s12;
	s17 =	sadd.s32 s17, s13;
	s13 =	smax.u32 s14, $0x1  }
0x12: {  	s11 =	sadd.s32 s11, s8;
	s8 =	sadd.s32 $0x29E00, s10;
	s14 =	sadd.s32 $0x16400, s17  }
0x13: {  	s17 =	sshrl.u32 @!p0 s3, $0x3;
	s10 =	sadd.s32 $0x45400, s11;
	s11 =	sadd.s32 $0x6C600, s11  }
.LBB2_1:
0x14: {  	[spmem:s15], [sflag:s9] =	dma.local [hbm:s8], $0x1388  }
0x15: {  	_ =	swait.ge [sflag:s16], $0x1388  }
0x16: {  	[sflag:s16] =	ssyncset.done $0x0  }
0x17: {  	s24 =	simm.s32 @!p0 $0x3;
	[sflag:s16] =	ssyncadd.s32 $0xFFFFEC78  }
0x18: {  	[spmem:s17], [sflag:s9] =	dma.local @!p0 [hbm:s6], $0x2710  }
0x19: {  	_ =	swait.ge @!p0 [sflag:s24], $0x2710  }
0x1a: {  	[sflag:s24] =	ssyncset.done @!p0 $0x0  }
0x1b: {  	[sflag:s24] =	ssyncadd.s32 @!p0 $0xFFFFD8F0  }
0x1c: {  	[tilespmem:s18], [sflag:$0x3] =	stream.linear.gather [hbm4b:s7+s4], $0x1F40, $0x38;
	[tilespmem:$0x1D0D8] =	vst v63  }
0x1d: {  	_ =	swait.ge [sflag:s16], $0x1F40  }
0x1e: {  	[sflag:s16] =	ssyncset.done $0x0  }
0x1f: {  	[sflag:s16] =	ssyncadd.s32 $0xFFFFE0C0  }
0x20: {  	s31 =	sadd.s32 $0x0, s14;
	[bflag:$0x0] =	sbarrier.arrive $0xFFFF  }
0x21: {  	[tilespmem:s4], [sflag:$0x3] =	stream.linear.gather [hbm4b:s31+s4], $0x7D0, $0x38;
	[tilespmem:$0x1D0D8] =	vst v63  }
0x22: {  	_ =	swait.ge [sflag:s16], $0x7D0  }
0x23: {  	[sflag:s16] =	ssyncset.done $0x0  }
0x24: {  	[sflag:s16] =	ssyncadd.s32 $0xFFFFF830  }
0x25: {  	[tilespmem:s20], [sflag:$0x1] =	stream.indirect.gather [hbm4b:s1+s19], $0x40, s4, s19, $0xb8;
	[tilespmem:$0x1D0D8] =	vst v63  }
0x26: {  	_ = 	snop  }
0x27: {  	[spmem:s3] =	stream.indirect.scatter.add.f32 [tilespmem:s18], [sflag:$0x2], $0x8, s19, s19, $0xb8;
	[tilespmem:$0x1D0D8] =	vst v63  }
0x28: {  	_ =	swait.ge [sflag:s21], $0xFA00  }
0x29: {  	[sflag:s21] =	ssyncset.done $0x0  }
0x2a: {  	[sflag:s21] =	ssyncadd.s32 $0xFFFF0600  }
0x2b: {  	[spmem:s2] =	stream.indirect.scatter.add.f32 [tilespmem:s20], [sflag:$0x3], $0x40, s19, s19, $0xb8;
	[tilespmem:$0x1D0D8] =	vst v63  }
0x2c: {  	_ =	swait.ge [sflag:s16], $0xFA00  }
0x2d: {  	[sflag:s16] =	ssyncset.done $0x0  }
0x2e: {  	[sflag:s16] =	ssyncadd.s32 $0xFFFF0600  }
0x2f: {  	_ =	swait.ge [sflag:s22], $0x1F40  }
0x30: {  	s25 =	simm.s32 $0x1F4;
	s24 =	simm.s32 $0xFA;
	[sflag:s22] =	ssyncset.done $0x0  }
.LBB2_2:
0x31: {  	s26 =	sadd.s32 s24, s14  }
0x32: {  	[sflag:s22] =	ssyncadd.s32 $0xFFFFE0C0;
	s24 =	smov.u32 s25;
	s28 =	sadd.s32 $0xFA, s25  }
0x33: {  	[tilespmem:s4], [sflag:$0x3] =	stream.linear.gather [hbm4b:s26+s4], $0x7D0, $0x38;
	[tilespmem:$0x1D0D8] =	vst v63  }
0x34: {  	p1 =	sne.s32 s25, $0x8CA;
	_ =	swait.ge [sflag:s16], $0x7D0  }
0x35: {  	[sflag:s16] =	ssyncset.done $0x0  }
0x36: {  	[sflag:s16] =	ssyncadd.s32 $0xFFFFF830  }
0x37: {  	[tilespmem:s20], [sflag:$0x1] =	stream.indirect.gather [hbm4b:s1+s19], $0x40, s4, s19, $0xb8;
	[tilespmem:$0x1D0D8] =	vst v63  }
0x38: {  	_ = 	snop  }
0x39: {  	[spmem:s3] =	stream.indirect.scatter.add.f32 [tilespmem:s18], [sflag:$0x2], $0x8, s19, s19, $0xb8;
	[tilespmem:$0x1D0D8] =	vst v63  }
0x3a: {  	_ =	swait.ge [sflag:s21], $0xFA00  }
0x3b: {  	[sflag:s21] =	ssyncset.done $0x0  }
0x3c: {  	[sflag:s21] =	ssyncadd.s32 $0xFFFF0600  }
0x3d: {  	[spmem:s2] =	stream.indirect.scatter.add.f32 [tilespmem:s20], [sflag:$0x3], $0x40, s19, s19, $0xb8;
	[tilespmem:$0x1D0D8] =	vst v63  }
.Ltmp0:
0x3e: {  	_ =	swait.ge [sflag:s16], $0xFA00;
	(pc) =	sbr.rel @p1 .LBB2_2-.Ltmp0, $4  }
0x3f: {  	[sflag:s16] =	ssyncset.done $0x0  }
0x40: {  	[sflag:s16] =	ssyncadd.s32 $0xFFFF0600  }
0x41: {  	_ =	swait.ge [sflag:s22], $0x1F40  }
0x42: {  	s25 =	smov.u32 s28;
	[sflag:s22] =	ssyncset.done $0x0  }
0x43: {  	s24 =	sadd.s32 s24, s14;
	[sflag:s22] =	ssyncadd.s32 $0xFFFFE0C0  }
0x44: {  	[tilespmem:s4], [sflag:$0x3] =	stream.linear.gather [hbm4b:s24+s4], $0x7D0, $0x38;
	[tilespmem:$0x1D0D8] =	vst v63  }
0x45: {  	_ =	swait.ge [sflag:s16], $0x7D0  }
0x46: {  	[sflag:s16] =	ssyncset.done $0x0  }
0x47: {  	[sflag:s16] =	ssyncadd.s32 $0xFFFFF830  }
0x48: {  	[tilespmem:s20], [sflag:$0x1] =	stream.indirect.gather [hbm4b:s1+s19], $0x40, s4, s19, $0xb8;
	[tilespmem:$0x1D0D8] =	vst v63  }
0x49: {  	_ = 	snop  }
0x4a: {  	[spmem:s3] =	stream.indirect.scatter.add.f32 [tilespmem:s18], [sflag:$0x2], $0x8, s19, s19, $0xb8;
	[tilespmem:$0x1D0D8] =	vst v63  }
0x4b: {  	_ =	swait.ge [sflag:s21], $0xFA00  }
0x4c: {  	[sflag:s21] =	ssyncset.done $0x0  }
0x4d: {  	[sflag:s21] =	ssyncadd.s32 $0xFFFF0600  }
0x4e: {  	[spmem:s2] =	stream.indirect.scatter.add.f32 [tilespmem:s20], [sflag:$0x3], $0x40, s19, s19, $0xb8;
	[tilespmem:$0x1D0D8] =	vst v63  }
0x4f: {  	_ =	swait.ge [sflag:s16], $0xFA00  }
0x50: {  	[sflag:s16] =	ssyncset.done $0x0  }
0x51: {  	[sflag:s16] =	ssyncadd.s32 $0xFFFF0600  }
0x52: {  	_ =	swait.ge [sflag:s22], $0x1F40  }
0x53: {  	[sflag:s22] =	ssyncset.done $0x0  }
0x54: {  	[sflag:s22] =	ssyncadd.s32 $0xFFFFE0C0  }
0x55: {  	[bflag:$0x0] =	sbarrier.arrive $0xFFFF  }
0x56: {  	[hbm:s10], [sflag:s9] =	dma.local [spmem:s15], $0x1388  }
0x57: {  	_ =	swait.ge [sflag:s16], $0x1388  }
0x58: {  	[sflag:s16] =	ssyncset.done $0x0  }
0x59: {  	[sflag:s16] =	ssyncadd.s32 $0xFFFFEC78  }
0x5a: {  	[spmem:s15], [sflag:s9] =	dma.local [hbm:s8], $0x1388  }
0x5b: {  	_ =	swait.ge [sflag:s16], $0x1388  }
0x5c: {  	[sflag:s16] =	ssyncset.done $0x0  }
0x5d: {  	[sflag:s16] =	ssyncadd.s32 $0xFFFFEC78  }
0x5e: {  	s31 =	sadd.s32 $0x0, s14;
	[bflag:$0x0] =	sbarrier.arrive $0xFFFF  }
0x5f: {  	[tilespmem:s4], [sflag:$0x3] =	stream.linear.gather [hbm4b:s31+s4], $0x7D0, $0x38;
	[tilespmem:$0x1D0D8] =	vst v63  }
0x60: {  	_ =	swait.ge [sflag:s16], $0x7D0  }
0x61: {  	[sflag:s16] =	ssyncset.done $0x0  }
0x62: {  	[sflag:s16] =	ssyncadd.s32 $0xFFFFF830  }
0x63: {  	[tilespmem:s20], [sflag:$0x1] =	stream.indirect.gather [hbm4b:s5+s19], $0x40, s4, s19, $0xb8;
	[tilespmem:$0x1D0D8] =	vst v63  }
0x64: {  	_ =	swait.ge [sflag:s21], $0xFA00  }
0x65: {  	[sflag:s21] =	ssyncset.done $0x0  }
0x66: {  	[sflag:s21] =	ssyncadd.s32 $0xFFFF0600  }
0x67: {  	[spmem:s2] =	stream.indirect.scatter.add.f32 [tilespmem:s20], [sflag:$0x3], $0x40, s19, s19, $0xb8;
	[tilespmem:$0x1D0D8] =	vst v63  }
0x68: {  	_ =	swait.ge [sflag:s16], $0xFA00  }
0x69: {  	s25 =	simm.s32 $0x1F4;
	s24 =	simm.s32 $0xFA;
	[sflag:s16] =	ssyncset.done $0x0  }
.LBB2_4:
0x6a: {  	s26 =	sadd.s32 s24, s14  }
0x6b: {  	[sflag:s16] =	ssyncadd.s32 $0xFFFF0600;
	s24 =	smov.u32 s25;
	s28 =	sadd.s32 $0xFA, s25  }
0x6c: {  	[tilespmem:s4], [sflag:$0x3] =	stream.linear.gather [hbm4b:s26+s4], $0x7D0, $0x38;
	[tilespmem:$0x1D0D8] =	vst v63  }
0x6d: {  	p1 =	sne.s32 s25, $0x8CA;
	_ =	swait.ge [sflag:s16], $0x7D0  }
0x6e: {  	[sflag:s16] =	ssyncset.done $0x0  }
0x6f: {  	[sflag:s16] =	ssyncadd.s32 $0xFFFFF830  }
0x70: {  	[tilespmem:s20], [sflag:$0x1] =	stream.indirect.gather [hbm4b:s5+s19], $0x40, s4, s19, $0xb8;
	[tilespmem:$0x1D0D8] =	vst v63  }
0x71: {  	_ =	swait.ge [sflag:s21], $0xFA00  }
.Ltmp1:
0x72: {  	[sflag:s21] =	ssyncset.done $0x0;
	(pc) =	sbr.rel @p1 .LBB2_4-.Ltmp1, $4  }
0x73: {  	[sflag:s21] =	ssyncadd.s32 $0xFFFF0600  }
0x74: {  	[spmem:s2] =	stream.indirect.scatter.add.f32 [tilespmem:s20], [sflag:$0x3], $0x40, s19, s19, $0xb8;
	[tilespmem:$0x1D0D8] =	vst v63  }
0x75: {  	_ =	swait.ge [sflag:s16], $0xFA00  }
0x76: {  	s25 =	smov.u32 s28;
	[sflag:s16] =	ssyncset.done $0x0  }
0x77: {  	s24 =	sadd.s32 s24, s14;
	[sflag:s16] =	ssyncadd.s32 $0xFFFF0600  }
0x78: {  	[tilespmem:s4], [sflag:$0x3] =	stream.linear.gather [hbm4b:s24+s4], $0x7D0, $0x38;
	[tilespmem:$0x1D0D8] =	vst v63  }
0x79: {  	_ =	swait.ge [sflag:s16], $0x7D0  }
0x7a: {  	[sflag:s16] =	ssyncset.done $0x0  }
0x7b: {  	[sflag:s16] =	ssyncadd.s32 $0xFFFFF830  }
0x7c: {  	[tilespmem:s20], [sflag:$0x1] =	stream.indirect.gather [hbm4b:s5+s19], $0x40, s4, s19, $0xb8;
	[tilespmem:$0x1D0D8] =	vst v63  }
0x7d: {  	_ =	swait.ge [sflag:s21], $0xFA00  }
0x7e: {  	[sflag:s21] =	ssyncset.done $0x0  }
0x7f: {  	[sflag:s21] =	ssyncadd.s32 $0xFFFF0600  }
0x80: {  	[spmem:s2] =	stream.indirect.scatter.add.f32 [tilespmem:s20], [sflag:$0x3], $0x40, s19, s19, $0xb8;
	[tilespmem:$0x1D0D8] =	vst v63  }
0x81: {  	_ =	swait.ge [sflag:s16], $0xFA00  }
0x82: {  	[sflag:s16] =	ssyncset.done $0x0  }
0x83: {  	[sflag:s16] =	ssyncadd.s32 $0xFFFF0600  }
0x84: {  	[bflag:$0x0] =	sbarrier.arrive $0xFFFF  }
0x85: {  	[hbm:s11], [sflag:s9] =	dma.local [spmem:s15], $0x1388  }
0x86: {  	s23 =	sadd.s32 $0x1, s23;
	_ =	swait.ge [sflag:s16], $0x1388  }
0x87: {  	p1 =	sne.s32 s23, s13;
	[sflag:s16] =	ssyncset.done $0x0  }
.Ltmp2:
0x88: {  	s24 =	simm.s32 @!p0 $0x3;
	[sflag:s16] =	ssyncadd.s32 $0xFFFFEC78;
	(pc) =	sbr.rel @p1 .LBB2_1-.Ltmp2, $4  }
0x89: {  	[hbm:s12], [sflag:s9] =	dma.local @!p0 [spmem:s17], $0x2710  }
0x8a: {  	_ =	swait.ge @!p0 [sflag:s24], $0x2710  }
0x8b: {  	[sflag:s24] =	ssyncset.done @!p0 $0x0  }
0x8c: {  	[sflag:s24] =	ssyncadd.s32 @!p0 $0xFFFFD8F0  }
0x8d: {  	_ =	sfence.sel $0x180000  }
0x8e: {  	[bflag:$0x0] =	sbarrier.arrive $0xFFFF  }
0x8f: {  	_ =	strace $0x90000047  }
0x90: {  	s0 =	sadd.s32 @!p0 $0x100000, s0;
	[bflag:$0x2] =	sbarrier.arrive $0xFFFF  }
0x91: {  	[sflag:s0] =	ssyncadd.tile.s32 @!p0 $0x1;
	_ =	shalt  }
.Lfunc_end2:
_tile_overlayer_lowered:
.L_overlay_start_2:
0x92: {  	(tag) =	ssettag $0x2  }
0x93: {  	s0 =	rddreg [dreg:$0x0];
	s2 =	stileid.u32  }
0x94: {  	s1 =	rddreg [dreg:$0x1];
	p0 =	sne.s32 s2, $0x0  }
0x95: {  	s3 =	rddreg [dreg:$0x2];
	[bflag:$0x3] =	sbarrier.arrive $0xFFFF;
	s2 =	simm.s32 @!p0 $0x1C03  }
0x96: {  	[timem:s3], [sflag:s2] =	dma.local @!p0 [hbm:s0], s1  }
0x97: {  	s0 =	simm.s32 @!p0 $0x3  }
0x98: {  	_ =	swait.ge @!p0 [sflag:s0], s1  }
0x99: {  	s1 =	ssub.s32 @!p0 $0x0, s1;
	[sflag:s0] =	ssyncset.done @!p0 $0x0  }
0x9a: {  	[sflag:s0] =	ssyncadd.s32 @!p0 s1  }
0x9b: {  	[bflag:$0x3] =	sbarrier.arrive $0xFFFF  }
0x9c: {  	_ =	shalt  }

// kernel: kernel.9.cloned.1.call-start
scs
__scs_entry_jumppad:
0x0: {  	(pc) =	sbr.rel $0x88, $3  }
0x1: {  	(tag) =	ssettag $0x0;
	lr =	simm.s32 $0x1  }
0x2: {  	[smem:$0x3F99] =	sst lr;
	_ =	strace $0xD0000000  }
0x3: {  	_ = 	snop  }
0x4: {  	_ = 	snop  }
0x5: {  	_ = 	snop  }
0x6: {  	_ = 	snop  }
0x7: {  	_ = 	snop  }
__scs_overlays_trampoline_lowered:
0x8: {  	[smem:$0x3FA8] =	sst s0  }
0x9: {  	[smem:$0x3FA9] =	sst s1  }
0xa: {  	[smem:$0x3FAA] =	sst s2  }
0xb: {  	[smem:$0x3FAB] =	sst s3  }
0xc: {  	[smem:$0x3FAC] =	sst s4  }
0xd: {  	[smem:$0x3FAD] =	sst s5  }
0xe: {  	[smem:$0x3FAE] =	sst s6  }
0xf: {  	[smem:$0x3FAF] =	sst s7  }
0x10: {  	[smem:$0x3FB0] =	sst s8  }
0x11: {  	[smem:$0x3FB1] =	sst s9;
	s0 =	simm.s32 @!p0 $0x0  }
0x12: {  	s1 =	sld [smem:$0x3F97];
	s0 =	simm.s32 @p0 $0x1  }
0x13: {  	[smem:$0x3FB2] =	sst s0;
	s0 =	simm.s32 @!p1 $0x0  }
0x14: {  	s2 =	sld [smem:$0x3F96];
	s0 =	simm.s32 @p1 $0x1  }
0x15: {  	[smem:$0x3FB3] =	sst s0;
	s0 =	simm.s32 @!p2 $0x0  }
0x16: {  	s3 =	sld [smem:$0x3FDB];
	s0 =	simm.s32 @p2 $0x1  }
0x17: {  	s4 =	simm.s32 $0x1BF5;
	[smem:$0x3FB5] =	sst s0  }
0x18: {  	s0 =	sld [smem:$0x3F98];
	_ =	swait.ge [sflag:s4], $0x0  }
0x19: {  	s7 =	sld [smem:$0x3F99]  }
0x1a: {  	s8 =	sadd.s32 $0xFFFFE003, lr  }
0x1b: {  	s9 =	sadd.s32 $0xFFFFFEF7, lr;
	s5 =	simm.s32 $0xFFFFFFFF;
	p2 =	slt.u32 s8, $0xFFFFF086  }
0x1c: {  	p1 =	slt.u32 s9, $0xF7A;
	s5 =	simm.s32 @!p2 $0x0  }
0x1d: {  	s5 =	simm.s32 @p1 $0x1;
	p0 =	seq.s32 s7, s2  }
0x1e: {  	s7 =	smul.u32 @!p0 $0xF7A, s2;
	p2 =	seq.s32 @!p0 s5, $0x0  }
0x1f: {  	s9 =	smul.u32 $0xF7A, s1;
	s8 =	simm.s32 @!p0 $0x1BF5;
	p2 =	por !p2, p0  }
0x20: {  	[sflag:s8] =	ssyncset.s32 @!p0 $0xFFFFF086;
	s6 =	sadd.s32 @!p0 s3, s7;
	s7 =	simm.s32 @!p0 $0x108  }
0x21: {  	s3 =	sadd.s32 s3, s9;
	s6 =	sadd.s32 @!p0 $0x88, s6;
	s7 =	simm.s32 @p2 $0x1082  }
0x22: {  	[simem:s7], [sflag:s8] =	dma.local @!p0 [hbm:s6], $0xF7A  }
0x23: {  	s9 =	sor.u32 $0xD0000000, s2;
	s6 =	simm.s32 $0x108;
	_ =	swait.ge @!p0 [sflag:s8], $0x0  }
0x24: {  	s3 =	sadd.s32 $0x88, s3;
	s6 =	simm.s32 @!p1 $0x1082;
	[sflag:s4] =	ssyncset.s32 $0xFFFFF086  }
0x25: {  	[simem:s6], [sflag:s4] =	dma.local [hbm:s3], $0xF7A  }
0x26: {  	[smem:$0x3F99] =	sst s1;
	(tag) =	ssettag s2;
	_ =	strace s9  }
0x27: {  	s1 =	sld [smem:$0x3FA9]  }
0x28: {  	s2 =	sld [smem:$0x3FAA]  }
0x29: {  	s4 =	sld [smem:$0x3FAC]  }
0x2a: {  	p0 =	seq.s32 s5, $0x0;
	s5 =	sld [smem:$0x3FAD]  }
0x2b: {  	s6 =	sld [smem:$0x3FAE]  }
0x2c: {  	s7 =	sld [smem:$0x3FAF]  }
0x2d: {  	s3 =	simm.s32 $0x108;
	s8 =	sld [smem:$0x3FB0]  }
0x2e: {  	s3 =	simm.s32 @!p0 $0x1082;
	s9 =	sld [smem:$0x3FB1]  }
0x2f: {  	lr =	sadd.s32 s0, s3;
	s0 =	sld [smem:$0x3FA8]  }
0x30: {  	s3 =	sld [smem:$0x3FAB]  }
0x31: {  	[smem:$0x3FB4] =	sst s10  }
0x32: {  	s10 =	sld [smem:$0x3FB2];
	_ =	sdelay $0x3  }
0x33: {  	p0 =	seq.s32 s10, $0x1;
	s10 =	sld [smem:$0x3FB4];
	_ =	sdelay $0x3  }
0x34: {  	[smem:$0x3FB4] =	sst s10  }
0x35: {  	s10 =	sld [smem:$0x3FB3];
	_ =	sdelay $0x3  }
0x36: {  	p1 =	seq.s32 s10, $0x1;
	s10 =	sld [smem:$0x3FB4];
	_ =	sdelay $0x3  }
0x37: {  	[smem:$0x3FB4] =	sst s10  }
0x38: {  	s10 =	sld [smem:$0x3FB5]  }
0x39: {  	_ = 	snop;
	(pc) =	sbr.ind lr, $3  }
0x3a: {  	_ = 	snop  }
0x3b: {  	_ = 	snop  }
0x3c: {  	p2 =	seq.s32 s10, $0x1;
	s10 =	sld [smem:$0x3FB4]  }
0x3d: {  	_ =	shalt  }
0x3e: {  	_ =	shalt  }
0x3f: {  	_ =	shalt  }
0x40: {  	_ =	shalt  }
0x41: {  	_ =	shalt  }
0x42: {  	_ =	shalt  }
0x43: {  	_ =	shalt  }
0x44: {  	_ =	shalt  }
0x45: {  	_ =	shalt  }
0x46: {  	_ =	shalt  }
0x47: {  	_ =	shalt  }
0x48: {  	_ =	shalt  }
0x49: {  	_ =	shalt  }
0x4a: {  	_ =	shalt  }
0x4b: {  	_ =	shalt  }
0x4c: {  	_ =	shalt  }
0x4d: {  	_ =	shalt  }
0x4e: {  	_ =	shalt  }
0x4f: {  	_ =	shalt  }
0x50: {  	_ =	shalt  }
0x51: {  	_ =	shalt  }
0x52: {  	_ =	shalt  }
0x53: {  	_ =	shalt  }
0x54: {  	_ =	shalt  }
0x55: {  	_ =	shalt  }
0x56: {  	_ =	shalt  }
0x57: {  	_ =	shalt  }
0x58: {  	_ =	shalt  }
0x59: {  	_ =	shalt  }
0x5a: {  	_ =	shalt  }
0x5b: {  	_ =	shalt  }
0x5c: {  	_ =	shalt  }
0x5d: {  	_ =	shalt  }
0x5e: {  	_ =	shalt  }
0x5f: {  	_ =	shalt  }
0x60: {  	_ =	shalt  }
0x61: {  	_ =	shalt  }
0x62: {  	_ =	shalt  }
0x63: {  	_ =	shalt  }
0x64: {  	_ =	shalt  }
0x65: {  	_ =	shalt  }
0x66: {  	_ =	shalt  }
0x67: {  	_ =	shalt  }
0x68: {  	_ =	shalt  }
0x69: {  	_ =	shalt  }
0x6a: {  	_ =	shalt  }
0x6b: {  	_ =	shalt  }
0x6c: {  	_ =	shalt  }
0x6d: {  	_ =	shalt  }
0x6e: {  	_ =	shalt  }
0x6f: {  	_ =	shalt  }
0x70: {  	_ =	shalt  }
0x71: {  	_ =	shalt  }
0x72: {  	_ =	shalt  }
0x73: {  	_ =	shalt  }
0x74: {  	_ =	shalt  }
0x75: {  	_ =	shalt  }
0x76: {  	_ =	shalt  }
0x77: {  	_ =	shalt  }
0x78: {  	_ =	shalt  }
0x79: {  	_ =	shalt  }
0x7a: {  	_ =	shalt  }
0x7b: {  	_ =	shalt  }
0x7c: {  	_ =	shalt  }
0x7d: {  	_ =	shalt  }
0x7e: {  	_ =	shalt  }
0x7f: {  	_ =	shalt  }
0x80: {  	_ =	shalt  }
0x81: {  	_ =	shalt  }
0x82: {  	_ =	shalt  }
0x83: {  	_ =	shalt  }
0x84: {  	_ =	shalt  }
0x85: {  	_ =	shalt  }
0x86: {  	_ =	shalt  }
0x87: {  	_ =	shalt  }
.Lfunc_end0:
.L_simem_size_0:
called_computation.1_lowered:
.L_overlay_start_0:
0x88: {  	s2 =	sld [smem:$0x3FD9]  }
0x89: {  	s3 =	sld [smem:$0x3FFE];
	_ =	sdelay $0x1  }
0x8a: {  	s1 =	srdreg.scid  }
0x8b: {  	s0 =	sand.u32 $0x1, s1  }
0x8c: {  	s17 =	sshll.u32 s0, $0xA;
	s2 =	sadd.s32 s3, s2  }
0x8d: {  	s2 =	sadd.s32 s2, s17  }
0x8e: {  	[smem:$0x3FC0] =	sst s2  }
0x8f: {  	_ = 	snop  }
0x90: {  	s2 =	sld [smem:$0x3FD0];
	(tm) =	ssettm $0x1  }
0x91: {  	s18 =	sld [smem:$0x3FFB];
	_ =	sdelay $0x3  }
0x92: {  	_ =	strace s18  }
0x93: {  	s3 =	sld [smem:$0x3FFC];
	_ =	sdelay $0x3  }
0x94: {  	_ =	strace s3  }
0x95: {  	s3 =	sld [smem:$0x3FFD];
	_ =	sdelay $0x3  }
0x96: {  	_ =	strace s3  }
0x97: {  	_ =	strace $0x8FFFFFFF  }
0x98: {  	s19 =	sld [smem:$0x3FDB];
	_ =	sdelay $0x1  }
0x99: {  	s4 =	simm.s32 $_scs_section_size  }
0x9a: {  	s5 =	simm.s32 $_size__tile_overlayer_lowered;
	s6 =	simm.s32 $_tile_overlayer_lowered  }
0x9b: {  	s22 =	simm.s32 $0x1BFF;
	s21 =	sshll.u32 s6, $0x1;
	s3 =	sadd.s32 s4, s19  }
0x9c: {  	s7 =	simm.s32 $0x0;
	s20 =	sshll.u32 s5, $0x1;
	s5 =	sadd.s32 s21, s3  }
0x9d: {  	[timem:s7], [sflag:s22] =	dma.local [hbm:s5], s20  }
0x9e: {  	_ =	swait.ge [sflag:s22], s20  }
0x9f: {  	s4 =	ssub.s32 $0x0, s20;
	[sflag:s22] =	ssyncset.done $0x0  }
0xa0: {  	[sflag:s22] =	ssyncadd.s32 s4;
	_ =	sdelay $0x1  }
0xa1: {  	s23 =	simm.s32 $0x1B8B  }
0xa2: {  	_ =	swait.ge [sflag:s23], $0x1  }
0xa3: {  	[sflag:s23] =	ssyncset.done $0x0  }
0xa4: {  	s25 =	simm.s32 $0x1B8E;
	s24 =	sld [smem:$0x3FFE];
	[sflag:s23] =	ssyncadd.s32 $0xFFFFFFFF  }
0xa5: {  	s26 =	simm.s32 $execute0_lowered;
	[smem:$0x3FD2] =	sst s25  }
0xa6: {  	s5 =	sshll.u32 s26, $0x1;
	_ =	strace $0x80000049;
	[dreg:$0x1] =	wrdreg $0xFFFFFFFF  }
0xa7: {  	s28 =	simm.s32 $_size_execute0_lowered;
	s3 =	sadd.s32 s3, s5;
	[dreg:$0x0] =	wrdreg $0x0  }
0xa8: {  	s5 =	sshll.u32 s28, $0x1;
	[dreg:$0x2] =	wrdreg s3  }
0xa9: {  	[dreg:$0x3] =	wrdreg s5  }
0xaa: {  	[dreg:$0x4] =	wrdreg $0xC0  }
0xab: {  	_ =	task [dreg:s7], $0x5FFFF  }
0xac: {  	[dreg:$0x1] =	wrdreg $0xFFFFFFFF  }
0xad: {  	[dreg:$0x0] =	wrdreg $0x60  }
0xae: {  	[dreg:$0x2] =	wrdreg s2  }
0xaf: {  	[dreg:$0x3] =	wrdreg s24  }
0xb0: {  	[dreg:$0x4] =	wrdreg $0x101D00  }
0xb1: {  	[dreg:$0x5] =	wrdreg $0x9  }
0xb2: {  	_ =	task.clear_ibuf [dreg:s7], $0x6FFFF;
	_ =	strace $0x90000049  }
0xb3: {  	s29 =	simm.s32 $0x9;
	_ =	strace $0x8000004B  }
0xb4: {  	_ =	swait.ge [sflag:s29], $0x1  }
0xb5: {  	[sflag:s29] =	ssyncadd.s32 $0xFFFFFFFF  }
0xb6: {  	_ =	strace $0x9000004B  }
0xb7: {  	_ =	sfence  }
0xb8: {  	s30 =	sld [smem:$0x0];
	_ =	sdelay $0x2  }
0xb9: {  	s31 =	sshll.u32 s1, $0xD;
	s1 =	sshrl.u32 s1, $0x2  }
0xba: {  	s3 =	sand.u32 $0x4000, s31;
	s1 =	sadd.s32 s1, s30  }
0xbb: {  	s0 =	sor.u32 s3, s0;
	s1 =	sshll.u32 s1, $0x11  }
0xbc: {  	s0 =	sor.u32 s1, s0  }
0xbd: {  	s0 =	sadd.s32 $0x8F2B, s0  }
0xbe: {  	[sflag:s0] =	ssyncadd.remote.s32 $0x1  }
0xbf: {  	_ =	sfence.sel $0xFFFF  }
0xc0: {  	[dreg:$0x0] =	wrdreg $0xFFFFFFFF;
	(pc) =	sbr.abs _section_cstart, $3  }
0xc1: {  	[dreg:$0x1] =	wrdreg $0xFFFFFFFF  }
0xc2: {  	_ =	task.clear_ibuf [dreg:s7], $0x2FFFF;
	_ =	strace $0x9FFFFFFF  }
0xc3: {  	(tm) =	ssettm $0x7FFFFFFF  }
tec
execute0_lowered:
.L_overlay_start_1:
0x0: {  	(tag) =	ssettag $0x1  }
0x1: {  	s0 =	rddreg [dreg:$0x0]  }
0x2: {  	s5 =	rddreg [dreg:$0x1]  }
0x3: {  	s1 =	srdreg.scid;
	s2 =	stileid.u32  }
0x4: {  	s3 =	rddreg [dreg:$0x2];
	s4 =	simm.s32 $0x0;
	s8 =	smul.u32 $0x9C40, s2  }
0x5: {  	s14 =	simm.s32 $0x1;
	s6 =	sand.u32 $0x1, s1;
	s11 =	smul.u32 $0x9C4, s2  }
0x6: {  	s15 =	simm.s32 $0x0;
	s1 =	rddreg [dreg:$0x3];
	s7 =	smul.u32 $0x9C40, s6  }
0x7: {  	[smem:$0x7FF] =	sst s4;
	s30 =	sshll.u32 s2, $0x6;
	s9 =	smul.u32 $0x9C400, s6  }
0x8: {  	_ =	strace $0x8000004A;
	s6 =	ssub.s32 $0x2, s6;
	s10 =	sshrl.u32 s8, $0x3  }
0x9: {  	s29 =	sshrl.u32 s6, $0x1;
	s13 =	sadd.s32 s8, s3;
	s7 =	sadd.s32 s7, s5  }
0xa: {  	s9 =	sadd.s32 s8, s9;
	s10 =	sadd.s32 s10, s5;
	s12 =	ssub.s32 s6, s29  }
0xb: {  	s6 =	sor.u32 $0x1C02, s30;
	s9 =	sshrl.u32 s9, $0x3;
	s31 =	sadd.s32 s11, s7  }
0xc: {  	s8 =	smax.u32 s12, $0x1;
	s11 =	simm.s32 $0x2;
	s12 =	simm.s32 $0x3E8  }
0xd: {  	s9 =	sadd.s32 s9, s5;
	s5 =	sadd.s32 $0x29E00, s10;
	s10 =	sshrl.u32 s13, $0x3  }
0xe: {  	s13 =	simm.s32 $0x7D0;
	s7 =	sadd.s32 $0x3D800, s9;
	s9 =	sadd.s32 $0x16400, s31  }
.LBB2_1:
0xf: {  	[spmem:s10], [sflag:s6] =	dma.local [hbm:s5], $0x1388  }
0x10: {  	_ =	swait.ge [sflag:s11], $0x1388  }
0x11: {  	[sflag:s11] =	ssyncset.done $0x0  }
0x12: {  	[sflag:s11] =	ssyncadd.s32 $0xFFFFEC78  }
0x13: {  	s16 =	sadd.s32 $0x0, s9;
	[bflag:$0x0] =	sbarrier.arrive $0xFFFF  }
0x14: {  	[tilespmem:s4], [sflag:$0x2] =	stream.linear.gather [hbm4b:s16+s4], $0x7D0, $0x38;
	[tilespmem:$0x19E10] =	vst v63  }
0x15: {  	_ =	swait.ge [sflag:s11], $0x7D0  }
0x16: {  	[sflag:s11] =	ssyncset.done $0x0  }
0x17: {  	[sflag:s11] =	ssyncadd.s32 $0xFFFFF830  }
0x18: {  	[tilespmem:s13], [sflag:$0x1] =	stream.indirect.gather [hbm4b:s0+s12], $0x40, s4, s12, $0xb8;
	[tilespmem:$0x19E10] =	vst v63  }
0x19: {  	_ =	swait.ge [sflag:s14], $0xFA00  }
0x1a: {  	[sflag:s14] =	ssyncset.done $0x0  }
0x1b: {  	[sflag:s14] =	ssyncadd.s32 $0xFFFF0600  }
0x1c: {  	[spmem:s3] =	stream.indirect.scatter.add.f32 [tilespmem:s13], [sflag:$0x2], $0x40, s12, s12, $0xb8;
	[tilespmem:$0x19E10] =	vst v63  }
0x1d: {  	_ =	swait.ge [sflag:s11], $0xFA00  }
0x1e: {  	s17 =	simm.s32 $0x1F4;
	s16 =	simm.s32 $0xFA;
	[sflag:s11] =	ssyncset.done $0x0  }
.LBB2_2:
0x1f: {  	s18 =	sadd.s32 s16, s9  }
0x20: {  	[sflag:s11] =	ssyncadd.s32 $0xFFFF0600;
	s16 =	smov.u32 s17;
	s19 =	sadd.s32 $0xFA, s17  }
0x21: {  	[tilespmem:s4], [sflag:$0x2] =	stream.linear.gather [hbm4b:s18+s4], $0x7D0, $0x38;
	[tilespmem:$0x19E10] =	vst v63  }
0x22: {  	p0 =	sne.s32 s17, $0x8CA;
	_ =	swait.ge [sflag:s11], $0x7D0  }
0x23: {  	[sflag:s11] =	ssyncset.done $0x0  }
0x24: {  	[sflag:s11] =	ssyncadd.s32 $0xFFFFF830  }
0x25: {  	[tilespmem:s13], [sflag:$0x1] =	stream.indirect.gather [hbm4b:s0+s12], $0x40, s4, s12, $0xb8;
	[tilespmem:$0x19E10] =	vst v63  }
0x26: {  	_ =	swait.ge [sflag:s14], $0xFA00  }
.Ltmp0:
0x27: {  	[sflag:s14] =	ssyncset.done $0x0;
	(pc) =	sbr.rel @p0 .LBB2_2-.Ltmp0, $4  }
0x28: {  	[sflag:s14] =	ssyncadd.s32 $0xFFFF0600  }
0x29: {  	[spmem:s3] =	stream.indirect.scatter.add.f32 [tilespmem:s13], [sflag:$0x2], $0x40, s12, s12, $0xb8;
	[tilespmem:$0x19E10] =	vst v63  }
0x2a: {  	_ =	swait.ge [sflag:s11], $0xFA00  }
0x2b: {  	s17 =	smov.u32 s19;
	[sflag:s11] =	ssyncset.done $0x0  }
0x2c: {  	s16 =	sadd.s32 s16, s9;
	[sflag:s11] =	ssyncadd.s32 $0xFFFF0600  }
0x2d: {  	[tilespmem:s4], [sflag:$0x2] =	stream.linear.gather [hbm4b:s16+s4], $0x7D0, $0x38;
	[tilespmem:$0x19E10] =	vst v63  }
0x2e: {  	_ =	swait.ge [sflag:s11], $0x7D0  }
0x2f: {  	[sflag:s11] =	ssyncset.done $0x0  }
0x30: {  	[sflag:s11] =	ssyncadd.s32 $0xFFFFF830  }
0x31: {  	[tilespmem:s13], [sflag:$0x1] =	stream.indirect.gather [hbm4b:s0+s12], $0x40, s4, s12, $0xb8;
	[tilespmem:$0x19E10] =	vst v63  }
0x32: {  	_ =	swait.ge [sflag:s14], $0xFA00  }
0x33: {  	[sflag:s14] =	ssyncset.done $0x0  }
0x34: {  	[sflag:s14] =	ssyncadd.s32 $0xFFFF0600  }
0x35: {  	[spmem:s3] =	stream.indirect.scatter.add.f32 [tilespmem:s13], [sflag:$0x2], $0x40, s12, s12, $0xb8;
	[tilespmem:$0x19E10] =	vst v63  }
0x36: {  	_ =	swait.ge [sflag:s11], $0xFA00  }
0x37: {  	s15 =	sadd.s32 $0x1, s15;
	[sflag:s11] =	ssyncset.done $0x0  }
0x38: {  	p0 =	sne.s32 s15, s8;
	[sflag:s11] =	ssyncadd.s32 $0xFFFF0600  }
.Ltmp1:
0x39: {  	[bflag:$0x0] =	sbarrier.arrive $0xFFFF;
	(pc) =	sbr.rel @p0 .LBB2_1-.Ltmp1, $4  }
0x3a: {  	[hbm:s7], [sflag:s6] =	dma.local [spmem:s10], $0x1388  }
0x3b: {  	_ =	swait.ge [sflag:s11], $0x1388  }
0x3c: {  	[sflag:s11] =	ssyncset.done $0x0  }
0x3d: {  	[sflag:s11] =	ssyncadd.s32 $0xFFFFEC78  }
0x3e: {  	_ =	sfence.sel $0x180000  }
0x3f: {  	[bflag:$0x0] =	sbarrier.arrive $0xFFFF  }
0x40: {  	p0 =	sne.s32 s2, $0x0;
	_ =	strace $0x9000004A  }
0x41: {  	s0 =	sadd.s32 @!p0 $0x100000, s1;
	[bflag:$0x2] =	sbarrier.arrive $0xFFFF  }
0x42: {  	[sflag:s0] =	ssyncadd.tile.s32 @!p0 $0x1;
	_ =	shalt  }
.Lfunc_end2:
_tile_overlayer_lowered:
.L_overlay_start_2:
0x43: {  	(tag) =	ssettag $0x2  }
0x44: {  	s0 =	rddreg [dreg:$0x0];
	s2 =	stileid.u32  }
0x45: {  	s1 =	rddreg [dreg:$0x1];
	p0 =	sne.s32 s2, $0x0  }
0x46: {  	s3 =	rddreg [dreg:$0x2];
	[bflag:$0x3] =	sbarrier.arrive $0xFFFF;
	s2 =	simm.s32 @!p0 $0x1C02  }
0x47: {  	[timem:s3], [sflag:s2] =	dma.local @!p0 [hbm:s0], s1  }
0x48: {  	s0 =	simm.s32 @!p0 $0x2  }
0x49: {  	_ =	swait.ge @!p0 [sflag:s0], s1  }
0x4a: {  	s1 =	ssub.s32 @!p0 $0x0, s1;
	[sflag:s0] =	ssyncset.done @!p0 $0x0  }
0x4b: {  	[sflag:s0] =	ssyncadd.s32 @!p0 s1  }
0x4c: {  	[bflag:$0x3] =	sbarrier.arrive $0xFFFF  }
0x4d: {  	_ =	shalt  }

</sc_bundles>
